<compile_context>
chip_gen: v7x
topology: tpu7x:2x2x1
jax: 0.10.2.dev20260603
libtpu: 0.0.44.dev20260713+nightly
codegen_flags: <defaults>
</compile_context>

<pallas_src>
import jax
import jax.numpy as jnp
from jax import lax
from jax.experimental import pallas as pl
from jax.experimental.pallas import tpu as pltpu
from jax.experimental.pallas import tpu_sc as plsc

NUM_RAW = 8100
NUM_POL = 2550
BATCH = 4096

NC = 2
NS = 16
L = 16

K_IDX = (NUM_RAW + L - 1) // L
K_OUT = (NUM_POL + L - 1) // L
SRC_PAD = K_OUT * L
BCHUNK = 512


def _src_body(idx_hbm, src_hbm, idx_v, src_v):
    wid = lax.axis_index("s") * NC + lax.axis_index("c")

    @pl.when(wid == 0)
    def _build():
        lane = lax.broadcasted_iota(jnp.int32, (L,), 0)
        pltpu.sync_copy(idx_hbm, idx_v.at[pl.ds(0, NUM_RAW)])
        src_v[pl.ds(SRC_PAD - L, L)] = jnp.zeros((L,), jnp.int32)

        def build_src(k, _):
            vec = idx_v[pl.ds(k * L, L)]
            j = k * L + lane
            m = (vec >= 0) & (j < NUM_RAW)
            addr = jnp.where(m, vec, 0)
            plsc.store_scatter(src_v, [addr], j, mask=m)
            return 0

        lax.fori_loop(0, K_IDX, build_src, 0)
        pltpu.sync_copy(src_v, src_hbm)


def _gather_body(src_smem, xt_ref, out_ref):
    ngrp = NUM_POL // 8

    def step(g, _):
        base = g * 8
        rows = [xt_ref[pl.ds(src_smem[base + i], 1), :] for i in range(8)]
        out_ref[pl.ds(base, 8), :] = jnp.concatenate(rows, axis=0)
        return 0

    lax.fori_loop(0, ngrp, step, 0, unroll=16)

    for p in range(ngrp * 8, NUM_POL):
        out_ref[pl.ds(p, 1), :] = xt_ref[pl.ds(src_smem[p], 1), :]


@jax.jit
def kernel(policy_logits_8100, policy_index_array):
    idx32 = policy_index_array.astype(jnp.int32)
    xt = policy_logits_8100.T

    mesh = plsc.VectorSubcoreMesh(
        core_axis_name="c", subcore_axis_name="s", num_cores=NC, num_subcores=NS
    )
    src = pl.kernel(
        _src_body,
        out_type=jax.ShapeDtypeStruct((SRC_PAD,), jnp.int32),
        mesh=mesh,
        scratch_types=[
            pltpu.VMEM((K_IDX * L,), jnp.int32),
            pltpu.VMEM((SRC_PAD,), jnp.int32),
        ],
        compiler_params=pltpu.CompilerParams(needs_layout_passes=False),
    )(idx32)

    grid_spec = pltpu.PrefetchScalarGridSpec(
        num_scalar_prefetch=1,
        grid=(BATCH // BCHUNK,),
        in_specs=[
            pl.BlockSpec((NUM_RAW, BCHUNK), lambda i, *_: (0, i)),
        ],
        out_specs=pl.BlockSpec((NUM_POL, BCHUNK), lambda i, *_: (0, i)),
    )
    out_t = pl.pallas_call(
        _gather_body,
        grid_spec=grid_spec,
        out_shape=jax.ShapeDtypeStruct((NUM_POL, BATCH), jnp.float32),
        compiler_params=pltpu.CompilerParams(
            vmem_limit_bytes=115 * 1024 * 1024),
    )(src, xt)

    return out_t.T

# --- scband reference (transcript-rebuilt; emitter-appended) ---
"""Pipeline reference for scband-policy-filter-63230508532052 (READ-ONLY COPY).

The authoritative reference and input builder live on the scoring server;
editing this copy changes nothing except your own understanding.
"""

import jax, jax.numpy as jnp
import numpy as np

NUM_RAW = 8100
NUM_POLICIES = 2550
BATCH = 4096


def _make_policy_index_array():
    # buffer from __init__: unique indices in [0, NUM_POLICIES) scattered into
    # random positions of an 8100-length array, -1 everywhere else.
    rng = np.random.default_rng(0)
    arr = np.full(NUM_RAW, -1, dtype=np.int64)
    pos = rng.permutation(NUM_RAW)[:NUM_POLICIES]
    arr[pos] = np.arange(NUM_POLICIES, dtype=np.int64)
    return jnp.asarray(arr)


def setup_inputs(seed: int = 0) -> dict:
    key = jax.random.key(seed)
    x = jax.random.normal(key, (BATCH, NUM_RAW), dtype=jnp.float32)
    return {"policy_logits_8100": x, "policy_index_array": _make_policy_index_array()}


def reference(policy_logits_8100, policy_index_array):
    # valid_mask buffer computed in __init__
    valid_mask = policy_index_array != -1
    # redirect invalid slots to a sentinel column that is sliced away
    safe_indices = jnp.where(valid_mask, policy_index_array, NUM_POLICIES)
    # scatter-overwrite into zero-initialized output (padded by sentinel column)
    out = jnp.zeros((policy_logits_8100.shape[0], NUM_POLICIES + 1), dtype=policy_logits_8100.dtype)
    out = out.at[:, safe_indices].set(policy_logits_8100)
    return out[:, :NUM_POLICIES]

if __name__ == "__main__":
    import jax
    _d = setup_inputs()
    print(jax.jit(kernel)(*tuple(_d.values())))

</pallas_src>

<mosaic_0001>
#map = affine_map<(d0, d1) -> (0)>
module attributes {stable_mosaic.version = 14 : i64} {
  func.func @_src_body(%arg0: i32, %arg1: i32, %arg2: memref<8100xi32, #tpu.memory_space<hbm>>, %arg3: memref<2560xi32, #tpu.memory_space<hbm>>, %arg4: memref<8112xi32, #tpu.memory_space<vmem>>, %arg5: memref<2560xi32, #tpu.memory_space<vmem>>) attributes {dimension_semantics = [#tpu.dimension_semantics<core_parallel>, #tpu.dimension_semantics<subcore_parallel>], iteration_bounds = array<i64: 2, 16>, scalar_prefetch = 0 : i64, scratch_operands = 2 : i64, tpu.core_type = #tpu.core_type<sc_vector_subcore>, window_params = [{transform_indices = #map}, {transform_indices = #map}]} {
    %mul3A = arith.constant 2 : i32
    %mul3A_0 = arith.muli %arg1, %mul3A : i32
    %add3A = arith.addi %mul3A_0, %arg0 : i32
    %eq3A = arith.constant 0 : i32
    %eq3A_1 = arith.cmpi eq, %add3A, %eq3A : i32
    %convert_element_type3A = arith.extui %eq3A_1 : i1 to i32
    %cond3A = arith.constant 0 : i32
    %cond3A_2 = arith.cmpi ne, %convert_element_type3A, %cond3A : i32
    scf.if %cond3A_2 {
      %iota3A = tpu.iota {dimensions = array<i32: 0>} : vector<16xi32>
      "tpu.region"() ({
        %run_scoped3A = tpu.sem_alloc : memref<!tpu.dma_semaphore, #tpu.memory_space<semaphore_mem>>
        %dma_start3A = arith.constant 0 : i32
        %dma_start3A_11 = tpu.memref_slice %arg4[%dma_start3A] : memref<8112xi32, #tpu.memory_space<vmem>> -> memref<8100xi32, #tpu.memory_space<vmem>>
        %dma_start3A_12 = arith.constant 0 : i32
        %dma_start3A_13 = tpu.memref_slice %arg4[%dma_start3A_12] : memref<8112xi32, #tpu.memory_space<vmem>> -> memref<8100xi32, #tpu.memory_space<vmem>>
        tpu.enqueue_dma source(%arg2 : memref<8100xi32, #tpu.memory_space<hbm>>) target(%dma_start3A_13 : memref<8100xi32, #tpu.memory_space<vmem>>) target_semaphore(%run_scoped3A : memref<!tpu.dma_semaphore, #tpu.memory_space<semaphore_mem>>)
        %dma_wait3A = arith.constant 0 : i32
        %dma_wait3A_14 = tpu.memref_slice %arg4[%dma_wait3A] : memref<8112xi32, #tpu.memory_space<vmem>> -> memref<8100xi32, #tpu.memory_space<vmem>>
        %dma_wait3A_15 = arith.constant 0 : i32
        %dma_wait3A_16 = tpu.memref_slice %arg4[%dma_wait3A_15] : memref<8112xi32, #tpu.memory_space<vmem>> -> memref<8100xi32, #tpu.memory_space<vmem>>
        tpu.wait_dma2 semaphore(%run_scoped3A : memref<!tpu.dma_semaphore, #tpu.memory_space<semaphore_mem>>) src(%arg2 : memref<8100xi32, #tpu.memory_space<hbm>>) dst(%dma_wait3A_16 : memref<8100xi32, #tpu.memory_space<vmem>>)
        tpu.yield
      }) : () -> ()
      %broadcast_in_dim3A = arith.constant 0 : i32
      %broadcast_in_dim3A_3 = vector.broadcast %broadcast_in_dim3A : i32 to vector<16xi32>
      %swap3A = arith.constant 2544 : index
      %swap3A_4 = tpu.vector_load %arg5[%swap3A] {strides = array<i32>} : memref<2560xi32, #tpu.memory_space<vmem>>, vector<16xi32>,
      tpu.vector_store %arg5[%swap3A], %broadcast_in_dim3A_3 {strides = array<i32>} : memref<2560xi32, #tpu.memory_space<vmem>>, vector<16xi32>,
      %scan3A = arith.constant 0 : i32
      %scan3A_5 = arith.constant 0 : i32
      %scan3A_6 = arith.constant 507 : i32
      %scan3A_7 = arith.addi %scan3A_5, %scan3A_6 : i32
      %scan3A_8 = arith.constant 1 : i32
      %scan3A_9 = scf.for %scan3A_11 = %scan3A_5 to %scan3A_7 step %scan3A_8 iter_args(%scan3A_12 = %scan3A) -> (i32)  : i32 {
        %mul3A_13 = arith.constant 16 : i32
        %mul3A_14 = arith.muli %scan3A_11, %mul3A_13 : i32
        %get3A = arith.index_cast %mul3A_14 : i32 to index
        %get3A_15 = tpu.vector_load %arg4[%get3A] {strides = array<i32>} : memref<8112xi32, #tpu.memory_space<vmem>>, vector<16xi32>,
        %mul3A_16 = arith.constant 16 : i32
        %mul3A_17 = arith.muli %scan3A_11, %mul3A_16 : i32
        %add3A_18 = vector.broadcast %mul3A_17 : i32 to vector<16xi32>
        %add3A_19 = arith.addi %add3A_18, %iota3A : vector<16xi32>
        %ge3A = arith.constant 0 : i32
        %ge3A_20 = vector.broadcast %ge3A : i32 to vector<16xi32>
        %ge3A_21 = arith.cmpi sge, %get3A_15, %ge3A_20 : vector<16xi32>
        %lt3A = arith.constant 8100 : i32
        %lt3A_22 = vector.broadcast %lt3A : i32 to vector<16xi32>
        %lt3A_23 = arith.cmpi slt, %add3A_19, %lt3A_22 : vector<16xi32>
        %and3A = arith.andi %ge3A_21, %lt3A_23 : vector<16xi1>
        %jit3A = arith.constant 0 : i32
        %broadcast_in_dim3A_24 = vector.broadcast %jit3A : i32 to vector<16xi32>
        %select_n3A = arith.select %and3A, %get3A_15, %broadcast_in_dim3A_24 : vector<16xi1>, vector<16xi32>
        tpu.vector_store_idx %arg5[%select_n3A], %add3A_19 masked %and3A : memref<2560xi32, #tpu.memory_space<vmem>>[vector<16xi32>], vector<16xi32>, vector<16xi1>
        %scan3A_25 = arith.constant 0 : i32
        scf.yield %scan3A_25 : i32
      }
      %scan3A_10 = arith.constant 507 : i32
      "tpu.region"() ({
        %run_scoped3A = tpu.sem_alloc : memref<!tpu.dma_semaphore, #tpu.memory_space<semaphore_mem>>
        tpu.enqueue_dma source(%arg5 : memref<2560xi32, #tpu.memory_space<vmem>>) target(%arg3 : memref<2560xi32, #tpu.memory_space<hbm>>) target_semaphore(%run_scoped3A : memref<!tpu.dma_semaphore, #tpu.memory_space<semaphore_mem>>)
        tpu.wait_dma2 semaphore(%run_scoped3A : memref<!tpu.dma_semaphore, #tpu.memory_space<semaphore_mem>>) src(%arg5 : memref<2560xi32, #tpu.memory_space<vmem>>) dst(%arg3 : memref<2560xi32, #tpu.memory_space<hbm>>)
        tpu.yield
      }) : () -> ()
    } else {
    }
    return
  }
}

module attributes {stable_mosaic.version = 14 : i64} {
  func.func @_gather_body(%arg0: i32, %arg1: memref<2560xi32, #tpu.memory_space<smem>>, %arg2: memref<8100x512xf32, #tpu.memory_space<vmem>>, %arg3: memref<2550x512xf32, #tpu.memory_space<vmem>>) attributes {dimension_semantics = [#tpu.dimension_semantics<arbitrary>], iteration_bounds = array<i64: 8>, scalar_prefetch = 1 : i64, scratch_operands = 0 : i64, tpu.core_type = #tpu.core_type<tc>, window_params = [{transform_indices = @transform_0, window_bounds = array<i64: 8100, 512>}, {transform_indices = @transform_1, window_bounds = array<i64: 2550, 512>}]} {
    %scan3A = arith.constant 0 : i32
    %scan3A_0 = arith.constant 304 : i32
    %scan3A_1 = arith.addi %scan3A, %scan3A_0 : i32
    %scan3A_2 = arith.constant 16 : i32
    scf.for %scan3A_943 = %scan3A to %scan3A_1 step %scan3A_2  : i32 {
      %mul3A_944 = arith.constant 8 : i32
      %mul3A_945 = arith.muli %scan3A_943, %mul3A_944 : i32
      %add3A_946 = arith.constant 0 : i32
      %add3A_947 = arith.addi %mul3A_945, %add3A_946 : i32
      %get3A_948 = arith.index_cast %add3A_947 : i32 to index
      %get3A_949 = memref.load %arg1[%get3A_948] : memref<2560xi32, #tpu.memory_space<smem>>
      %get3A_950 = arith.index_cast %get3A_949 : i32 to index
      %get3A_951 = arith.constant 0 : index
      %get3A_952 = vector.load %arg2[%get3A_950, %get3A_951] : memref<8100x512xf32, #tpu.memory_space<vmem>>, vector<1x512xf32>
      %add3A_953 = arith.constant 1 : i32
      %add3A_954 = arith.addi %mul3A_945, %add3A_953 : i32
      %get3A_955 = arith.index_cast %add3A_954 : i32 to index
      %get3A_956 = memref.load %arg1[%get3A_955] : memref<2560xi32, #tpu.memory_space<smem>>
      %get3A_957 = arith.index_cast %get3A_956 : i32 to index
      %get3A_958 = arith.constant 0 : index
      %get3A_959 = vector.load %arg2[%get3A_957, %get3A_958] : memref<8100x512xf32, #tpu.memory_space<vmem>>, vector<1x512xf32>
      %add3A_960 = arith.constant 2 : i32
      %add3A_961 = arith.addi %mul3A_945, %add3A_960 : i32
      %get3A_962 = arith.index_cast %add3A_961 : i32 to index
      %get3A_963 = memref.load %arg1[%get3A_962] : memref<2560xi32, #tpu.memory_space<smem>>
      %get3A_964 = arith.index_cast %get3A_963 : i32 to index
      %get3A_965 = arith.constant 0 : index
      %get3A_966 = vector.load %arg2[%get3A_964, %get3A_965] : memref<8100x512xf32, #tpu.memory_space<vmem>>, vector<1x512xf32>
      %add3A_967 = arith.constant 3 : i32
      %add3A_968 = arith.addi %mul3A_945, %add3A_967 : i32
      %get3A_969 = arith.index_cast %add3A_968 : i32 to index
      %get3A_970 = memref.load %arg1[%get3A_969] : memref<2560xi32, #tpu.memory_space<smem>>
      %get3A_971 = arith.index_cast %get3A_970 : i32 to index
      %get3A_972 = arith.constant 0 : index
      %get3A_973 = vector.load %arg2[%get3A_971, %get3A_972] : memref<8100x512xf32, #tpu.memory_space<vmem>>, vector<1x512xf32>
      %add3A_974 = arith.constant 4 : i32
      %add3A_975 = arith.addi %mul3A_945, %add3A_974 : i32
      %get3A_976 = arith.index_cast %add3A_975 : i32 to index
      %get3A_977 = memref.load %arg1[%get3A_976] : memref<2560xi32, #tpu.memory_space<smem>>
      %get3A_978 = arith.index_cast %get3A_977 : i32 to index
      %get3A_979 = arith.constant 0 : index
      %get3A_980 = vector.load %arg2[%get3A_978, %get3A_979] : memref<8100x512xf32, #tpu.memory_space<vmem>>, vector<1x512xf32>
      %add3A_981 = arith.constant 5 : i32
      %add3A_982 = arith.addi %mul3A_945, %add3A_981 : i32
      %get3A_983 = arith.index_cast %add3A_982 : i32 to index
      %get3A_984 = memref.load %arg1[%get3A_983] : memref<2560xi32, #tpu.memory_space<smem>>
      %get3A_985 = arith.index_cast %get3A_984 : i32 to index
      %get3A_986 = arith.constant 0 : index
      %get3A_987 = vector.load %arg2[%get3A_985, %get3A_986] : memref<8100x512xf32, #tpu.memory_space<vmem>>, vector<1x512xf32>
      %add3A_988 = arith.constant 6 : i32
      %add3A_989 = arith.addi %mul3A_945, %add3A_988 : i32
      %get3A_990 = arith.index_cast %add3A_989 : i32 to index
      %get3A_991 = memref.load %arg1[%get3A_990] : memref<2560xi32, #tpu.memory_space<smem>>
      %get3A_992 = arith.index_cast %get3A_991 : i32 to index
      %get3A_993 = arith.constant 0 : index
      %get3A_994 = vector.load %arg2[%get3A_992, %get3A_993] : memref<8100x512xf32, #tpu.memory_space<vmem>>, vector<1x512xf32>
      %add3A_995 = arith.constant 7 : i32
      %add3A_996 = arith.addi %mul3A_945, %add3A_995 : i32
      %get3A_997 = arith.index_cast %add3A_996 : i32 to index
      %get3A_998 = memref.load %arg1[%get3A_997] : memref<2560xi32, #tpu.memory_space<smem>>
      %get3A_999 = arith.index_cast %get3A_998 : i32 to index
      %get3A_1000 = arith.constant 0 : index
      %get3A_1001 = vector.load %arg2[%get3A_999, %get3A_1000] : memref<8100x512xf32, #tpu.memory_space<vmem>>, vector<1x512xf32>
      %concatenate3A_1002 = tpu.concatenate %get3A_952, %get3A_959, %get3A_966, %get3A_973, %get3A_980, %get3A_987, %get3A_994, %get3A_1001 in 0 : vector<1x512xf32>, vector<1x512xf32>, vector<1x512xf32>, vector<1x512xf32>, vector<1x512xf32>, vector<1x512xf32>, vector<1x512xf32>, vector<1x512xf32> -> vector<8x512xf32>
      %swap3A_1003 = arith.index_cast %mul3A_945 : i32 to index
      %swap3A_1004 = arith.constant 0 : index
      %swap3A_1005 = vector.load %arg3[%swap3A_1003, %swap3A_1004] : memref<2550x512xf32, #tpu.memory_space<vmem>>, vector<8x512xf32>
      tpu.vector_store %arg3[%swap3A_1003, %swap3A_1004], %concatenate3A_1002 {strides = array<i32>} : memref<2550x512xf32, #tpu.memory_space<vmem>>, vector<8x512xf32>,
      %scan3A_1006 = arith.constant 1 : i32
      %scan3A_1007 = arith.addi %scan3A_943, %scan3A_1006 : i32
      %mul3A_1008 = arith.constant 8 : i32
      %mul3A_1009 = arith.muli %scan3A_1007, %mul3A_1008 : i32
      %add3A_1010 = arith.constant 0 : i32
      %add3A_1011 = arith.addi %mul3A_1009, %add3A_1010 : i32
      %get3A_1012 = arith.index_cast %add3A_1011 : i32 to index
      %get3A_1013 = memref.load %arg1[%get3A_1012] : memref<2560xi32, #tpu.memory_space<smem>>
      %get3A_1014 = arith.index_cast %get3A_1013 : i32 to index
      %get3A_1015 = arith.constant 0 : index
      %get3A_1016 = vector.load %arg2[%get3A_1014, %get3A_1015] : memref<8100x512xf32, #tpu.memory_space<vmem>>, vector<1x512xf32>
      %add3A_1017 = arith.constant 1 : i32
      %add3A_1018 = arith.addi %mul3A_1009, %add3A_1017 : i32
      %get3A_1019 = arith.index_cast %add3A_1018 : i32 to index
      %get3A_1020 = memref.load %arg1[%get3A_1019] : memref<2560xi32, #tpu.memory_space<smem>>
      %get3A_1021 = arith.index_cast %get3A_1020 : i32 to index
      %get3A_1022 = arith.constant 0 : index
      %get3A_1023 = vector.load %arg2[%get3A_1021, %get3A_1022] : memref<8100x512xf32, #tpu.memory_space<vmem>>, vector<1x512xf32>
      %add3A_1024 = arith.constant 2 : i32
      %add3A_1025 = arith.addi %mul3A_1009, %add3A_1024 : i32
      %get3A_1026 = arith.index_cast %add3A_1025 : i32 to index
      %get3A_1027 = memref.load %arg1[%get3A_1026] : memref<2560xi32, #tpu.memory_space<smem>>
      %get3A_1028 = arith.index_cast %get3A_1027 : i32 to index
      %get3A_1029 = arith.constant 0 : index
      %get3A_1030 = vector.load %arg2[%get3A_1028, %get3A_1029] : memref<8100x512xf32, #tpu.memory_space<vmem>>, vector<1x512xf32>
      %add3A_1031 = arith.constant 3 : i32
      %add3A_1032 = arith.addi %mul3A_1009, %add3A_1031 : i32
      %get3A_1033 = arith.index_cast %add3A_1032 : i32 to index
      %get3A_1034 = memref.load %arg1[%get3A_1033] : memref<2560xi32, #tpu.memory_space<smem>>
      %get3A_1035 = arith.index_cast %get3A_1034 : i32 to index
      %get3A_1036 = arith.constant 0 : index
      %get3A_1037 = vector.load %arg2[%get3A_1035, %get3A_1036] : memref<8100x512xf32, #tpu.memory_space<vmem>>, vector<1x512xf32>
      %add3A_1038 = arith.constant 4 : i32
      %add3A_1039 = arith.addi %mul3A_1009, %add3A_1038 : i32
      %get3A_1040 = arith.index_cast %add3A_1039 : i32 to index
      %get3A_1041 = memref.load %arg1[%get3A_1040] : memref<2560xi32, #tpu.memory_space<smem>>
      %get3A_1042 = arith.index_cast %get3A_1041 : i32 to index
      %get3A_1043 = arith.constant 0 : index
      %get3A_1044 = vector.load %arg2[%get3A_1042, %get3A_1043] : memref<8100x512xf32, #tpu.memory_space<vmem>>, vector<1x512xf32>
      %add3A_1045 = arith.constant 5 : i32
      %add3A_1046 = arith.addi %mul3A_1009, %add3A_1045 : i32
      %get3A_1047 = arith.index_cast %add3A_1046 : i32 to index
      %get3A_1048 = memref.load %arg1[%get3A_1047] : memref<2560xi32, #tpu.memory_space<smem>>
      %get3A_1049 = arith.index_cast %get3A_1048 : i32 to index
      %get3A_1050 = arith.constant 0 : index
      %get3A_1051 = vector.load %arg2[%get3A_1049, %get3A_1050] : memref<8100x512xf32, #tpu.memory_space<vmem>>, vector<1x512xf32>
      %add3A_1052 = arith.constant 6 : i32
      %add3A_1053 = arith.addi %mul3A_1009, %add3A_1052 : i32
      %get3A_1054 = arith.index_cast %add3A_1053 : i32 to index
      %get3A_1055 = memref.load %arg1[%get3A_1054] : memref<2560xi32, #tpu.memory_space<smem>>
      %get3A_1056 = arith.index_cast %get3A_1055 : i32 to index
      %get3A_1057 = arith.constant 0 : index
      %get3A_1058 = vector.load %arg2[%get3A_1056, %get3A_1057] : memref<8100x512xf32, #tpu.memory_space<vmem>>, vector<1x512xf32>
      %add3A_1059 = arith.constant 7 : i32
      %add3A_1060 = arith.addi %mul3A_1009, %add3A_1059 : i32
      %get3A_1061 = arith.index_cast %add3A_1060 : i32 to index
      %get3A_1062 = memref.load %arg1[%get3A_1061] : memref<2560xi32, #tpu.memory_space<smem>>
      %get3A_1063 = arith.index_cast %get3A_1062 : i32 to index
      %get3A_1064 = arith.constant 0 : index
      %get3A_1065 = vector.load %arg2[%get3A_1063, %get3A_1064] : memref<8100x512xf32, #tpu.memory_space<vmem>>, vector<1x512xf32>
      %concatenate3A_1066 = tpu.concatenate %get3A_1016, %get3A_1023, %get3A_1030, %get3A_1037, %get3A_1044, %get3A_1051, %get3A_1058, %get3A_1065 in 0 : vector<1x512xf32>, vector<1x512xf32>, vector<1x512xf32>, vector<1x512xf32>, vector<1x512xf32>, vector<1x512xf32>, vector<1x512xf32>, vector<1x512xf32> -> vector<8x512xf32>
      %swap3A_1067 = arith.index_cast %mul3A_1009 : i32 to index
      %swap3A_1068 = arith.constant 0 : index
      %swap3A_1069 = vector.load %arg3[%swap3A_1067, %swap3A_1068] : memref<2550x512xf32, #tpu.memory_space<vmem>>, vector<8x512xf32>
      tpu.vector_store %arg3[%swap3A_1067, %swap3A_1068], %concatenate3A_1066 {strides = array<i32>} : memref<2550x512xf32, #tpu.memory_space<vmem>>, vector<8x512xf32>,
      %scan3A_1070 = arith.constant 2 : i32
      %scan3A_1071 = arith.addi %scan3A_943, %scan3A_1070 : i32
      %mul3A_1072 = arith.constant 8 : i32
      %mul3A_1073 = arith.muli %scan3A_1071, %mul3A_1072 : i32
      %add3A_1074 = arith.constant 0 : i32
      %add3A_1075 = arith.addi %mul3A_1073, %add3A_1074 : i32
      %get3A_1076 = arith.index_cast %add3A_1075 : i32 to index
      %get3A_1077 = memref.load %arg1[%get3A_1076] : memref<2560xi32, #tpu.memory_space<smem>>
      %get3A_1078 = arith.index_cast %get3A_1077 : i32 to index
      %get3A_1079 = arith.constant 0 : index
      %get3A_1080 = vector.load %arg2[%get3A_1078, %get3A_1079] : memref<8100x512xf32, #tpu.memory_space<vmem>>, vector<1x512xf32>
      %add3A_1081 = arith.constant 1 : i32
      %add3A_1082 = arith.addi %mul3A_1073, %add3A_1081 : i32
      %get3A_1083 = arith.index_cast %add3A_1082 : i32 to index
      %get3A_1084 = memref.load %arg1[%get3A_1083] : memref<2560xi32, #tpu.memory_space<smem>>
      %get3A_1085 = arith.index_cast %get3A_1084 : i32 to index
      %get3A_1086 = arith.constant 0 : index
      %get3A_1087 = vector.load %arg2[%get3A_1085, %get3A_1086] : memref<8100x512xf32, #tpu.memory_space<vmem>>, vector<1x512xf32>
      %add3A_1088 = arith.constant 2 : i32
      %add3A_1089 = arith.addi %mul3A_1073, %add3A_1088 : i32
      %get3A_1090 = arith.index_cast %add3A_1089 : i32 to index
      %get3A_1091 = memref.load %arg1[%get3A_1090] : memref<2560xi32, #tpu.memory_space<smem>>
      %get3A_1092 = arith.index_cast %get3A_1091 : i32 to index
      %get3A_1093 = arith.constant 0 : index
      %get3A_1094 = vector.load %arg2[%get3A_1092, %get3A_1093] : memref<8100x512xf32, #tpu.memory_space<vmem>>, vector<1x512xf32>
      %add3A_1095 = arith.constant 3 : i32
      %add3A_1096 = arith.addi %mul3A_1073, %add3A_1095 : i32
      %get3A_1097 = arith.index_cast %add3A_1096 : i32 to index
      %get3A_1098 = memref.load %arg1[%get3A_1097] : memref<2560xi32, #tpu.memory_space<smem>>
      %get3A_1099 = arith.index_cast %get3A_1098 : i32 to index
      %get3A_1100 = arith.constant 0 : index
      %get3A_1101 = vector.load %arg2[%get3A_1099, %get3A_1100] : memref<8100x512xf32, #tpu.memory_space<vmem>>, vector<1x512xf32>
      %add3A_1102 = arith.constant 4 : i32
      %add3A_1103 = arith.addi %mul3A_1073, %add3A_1102 : i32
      %get3A_1104 = arith.index_cast %add3A_1103 : i32 to index
      %get3A_1105 = memref.load %arg1[%get3A_1104] : memref<2560xi32, #tpu.memory_space<smem>>
      %get3A_1106 = arith.index_cast %get3A_1105 : i32 to index
      %get3A_1107 = arith.constant 0 : index
      %get3A_1108 = vector.load %arg2[%get3A_1106, %get3A_1107] : memref<8100x512xf32, #tpu.memory_space<vmem>>, vector<1x512xf32>
      %add3A_1109 = arith.constant 5 : i32
      %add3A_1110 = arith.addi %mul3A_1073, %add3A_1109 : i32
      %get3A_1111 = arith.index_cast %add3A_1110 : i32 to index
      %get3A_1112 = memref.load %arg1[%get3A_1111] : memref<2560xi32, #tpu.memory_space<smem>>
      %get3A_1113 = arith.index_cast %get3A_1112 : i32 to index
      %get3A_1114 = arith.constant 0 : index
      %get3A_1115 = vector.load %arg2[%get3A_1113, %get3A_1114] : memref<8100x512xf32, #tpu.memory_space<vmem>>, vector<1x512xf32>
      %add3A_1116 = arith.constant 6 : i32
      %add3A_1117 = arith.addi %mul3A_1073, %add3A_1116 : i32
      %get3A_1118 = arith.index_cast %add3A_1117 : i32 to index
      %get3A_1119 = memref.load %arg1[%get3A_1118] : memref<2560xi32, #tpu.memory_space<smem>>
      %get3A_1120 = arith.index_cast %get3A_1119 : i32 to index
      %get3A_1121 = arith.constant 0 : index
      %get3A_1122 = vector.load %arg2[%get3A_1120, %get3A_1121] : memref<8100x512xf32, #tpu.memory_space<vmem>>, vector<1x512xf32>
      %add3A_1123 = arith.constant 7 : i32
      %add3A_1124 = arith.addi %mul3A_1073, %add3A_1123 : i32
      %get3A_1125 = arith.index_cast %add3A_1124 : i32 to index
      %get3A_1126 = memref.load %arg1[%get3A_1125] : memref<2560xi32, #tpu.memory_space<smem>>
      %get3A_1127 = arith.index_cast %get3A_1126 : i32 to index
      %get3A_1128 = arith.constant 0 : index
      %get3A_1129 = vector.load %arg2[%get3A_1127, %get3A_1128] : memref<8100x512xf32, #tpu.memory_space<vmem>>, vector<1x512xf32>
      %concatenate3A_1130 = tpu.concatenate %get3A_1080, %get3A_1087, %get3A_1094, %get3A_1101, %get3A_1108, %get3A_1115, %get3A_1122, %get3A_1129 in 0 : vector<1x512xf32>, vector<1x512xf32>, vector<1x512xf32>, vector<1x512xf32>, vector<1x512xf32>, vector<1x512xf32>, vector<1x512xf32>, vector<1x512xf32> -> vector<8x512xf32>
      %swap3A_1131 = arith.index_cast %mul3A_1073 : i32 to index
      %swap3A_1132 = arith.constant 0 : index
      %swap3A_1133 = vector.load %arg3[%swap3A_1131, %swap3A_1132] : memref<2550x512xf32, #tpu.memory_space<vmem>>, vector<8x512xf32>
      tpu.vector_store %arg3[%swap3A_1131, %swap3A_1132], %concatenate3A_1130 {strides = array<i32>} : memref<2550x512xf32, #tpu.memory_space<vmem>>, vector<8x512xf32>,
      %scan3A_1134 = arith.constant 3 : i32
      %scan3A_1135 = arith.addi %scan3A_943, %scan3A_1134 : i32
      %mul3A_1136 = arith.constant 8 : i32
      %mul3A_1137 = arith.muli %scan3A_1135, %mul3A_1136 : i32
      %add3A_1138 = arith.constant 0 : i32
      %add3A_1139 = arith.addi %mul3A_1137, %add3A_1138 : i32
      %get3A_1140 = arith.index_cast %add3A_1139 : i32 to index
      %get3A_1141 = memref.load %arg1[%get3A_1140] : memref<2560xi32, #tpu.memory_space<smem>>
      %get3A_1142 = arith.index_cast %get3A_1141 : i32 to index
      %get3A_1143 = arith.constant 0 : index
      %get3A_1144 = vector.load %arg2[%get3A_1142, %get3A_1143] : memref<8100x512xf32, #tpu.memory_space<vmem>>, vector<1x512xf32>
      %add3A_1145 = arith.constant 1 : i32
      %add3A_1146 = arith.addi %mul3A_1137, %add3A_1145 : i32
      %get3A_1147 = arith.index_cast %add3A_1146 : i32 to index
      %get3A_1148 = memref.load %arg1[%get3A_1147] : memref<2560xi32, #tpu.memory_space<smem>>
      %get3A_1149 = arith.index_cast %get3A_1148 : i32 to index
      %get3A_1150 = arith.constant 0 : index
      %get3A_1151 = vector.load %arg2[%get3A_1149, %get3A_1150] : memref<8100x512xf32, #tpu.memory_space<vmem>>, vector<1x512xf32>
      %add3A_1152 = arith.constant 2 : i32
      %add3A_1153 = arith.addi %mul3A_1137, %add3A_1152 : i32
      %get3A_1154 = arith.index_cast %add3A_1153 : i32 to index
      %get3A_1155 = memref.load %arg1[%get3A_1154] : memref<2560xi32, #tpu.memory_space<smem>>
      %get3A_1156 = arith.index_cast %get3A_1155 : i32 to index
      %get3A_1157 = arith.constant 0 : index
      %get3A_1158 = vector.load %arg2[%get3A_1156, %get3A_1157] : memref<8100x512xf32, #tpu.memory_space<vmem>>, vector<1x512xf32>
      %add3A_1159 = arith.constant 3 : i32
      %add3A_1160 = arith.addi %mul3A_1137, %add3A_1159 : i32
      %get3A_1161 = arith.index_cast %add3A_1160 : i32 to index
      %get3A_1162 = memref.load %arg1[%get3A_1161] : memref<2560xi32, #tpu.memory_space<smem>>
      %get3A_1163 = arith.index_cast %get3A_1162 : i32 to index
      %get3A_1164 = arith.constant 0 : index
      %get3A_1165 = vector.load %arg2[%get3A_1163, %get3A_1164] : memref<8100x512xf32, #tpu.memory_space<vmem>>, vector<1x512xf32>
      %add3A_1166 = arith.constant 4 : i32
      %add3A_1167 = arith.addi %mul3A_1137, %add3A_1166 : i32
      %get3A_1168 = arith.index_cast %add3A_1167 : i32 to index
      %get3A_1169 = memref.load %arg1[%get3A_1168] : memref<2560xi32, #tpu.memory_space<smem>>
      %get3A_1170 = arith.index_cast %get3A_1169 : i32 to index
      %get3A_1171 = arith.constant 0 : index
      %get3A_1172 = vector.load %arg2[%get3A_1170, %get3A_1171] : memref<8100x512xf32, #tpu.memory_space<vmem>>, vector<1x512xf32>
      %add3A_1173 = arith.constant 5 : i32
      %add3A_1174 = arith.addi %mul3A_1137, %add3A_1173 : i32
      %get3A_1175 = arith.index_cast %add3A_1174 : i32 to index
      %get3A_1176 = memref.load %arg1[%get3A_1175] : memref<2560xi32, #tpu.memory_space<smem>>
      %get3A_1177 = arith.index_cast %get3A_1176 : i32 to index
      %get3A_1178 = arith.constant 0 : index
      %get3A_1179 = vector.load %arg2[%get3A_1177, %get3A_1178] : memref<8100x512xf32, #tpu.memory_space<vmem>>, vector<1x512xf32>
      %add3A_1180 = arith.constant 6 : i32
      %add3A_1181 = arith.addi %mul3A_1137, %add3A_1180 : i32
      %get3A_1182 = arith.index_cast %add3A_1181 : i32 to index
      %get3A_1183 = memref.load %arg1[%get3A_1182] : memref<2560xi32, #tpu.memory_space<smem>>
      %get3A_1184 = arith.index_cast %get3A_1183 : i32 to index
      %get3A_1185 = arith.constant 0 : index
      %get3A_1186 = vector.load %arg2[%get3A_1184, %get3A_1185] : memref<8100x512xf32, #tpu.memory_space<vmem>>, vector<1x512xf32>
      %add3A_1187 = arith.constant 7 : i32
      %add3A_1188 = arith.addi %mul3A_1137, %add3A_1187 : i32
      %get3A_1189 = arith.index_cast %add3A_1188 : i32 to index
      %get3A_1190 = memref.load %arg1[%get3A_1189] : memref<2560xi32, #tpu.memory_space<smem>>
      %get3A_1191 = arith.index_cast %get3A_1190 : i32 to index
      %get3A_1192 = arith.constant 0 : index
      %get3A_1193 = vector.load %arg2[%get3A_1191, %get3A_1192] : memref<8100x512xf32, #tpu.memory_space<vmem>>, vector<1x512xf32>
      %concatenate3A_1194 = tpu.concatenate %get3A_1144, %get3A_1151, %get3A_1158, %get3A_1165, %get3A_1172, %get3A_1179, %get3A_1186, %get3A_1193 in 0 : vector<1x512xf32>, vector<1x512xf32>, vector<1x512xf32>, vector<1x512xf32>, vector<1x512xf32>, vector<1x512xf32>, vector<1x512xf32>, vector<1x512xf32> -> vector<8x512xf32>
      %swap3A_1195 = arith.index_cast %mul3A_1137 : i32 to index
      %swap3A_1196 = arith.constant 0 : index
      %swap3A_1197 = vector.load %arg3[%swap3A_1195, %swap3A_1196] : memref<2550x512xf32, #tpu.memory_space<vmem>>, vector<8x512xf32>
      tpu.vector_store %arg3[%swap3A_1195, %swap3A_1196], %concatenate3A_1194 {strides = array<i32>} : memref<2550x512xf32, #tpu.memory_space<vmem>>, vector<8x512xf32>,
      %scan3A_1198 = arith.constant 4 : i32
      %scan3A_1199 = arith.addi %scan3A_943, %scan3A_1198 : i32
      %mul3A_1200 = arith.constant 8 : i32
      %mul3A_1201 = arith.muli %scan3A_1199, %mul3A_1200 : i32
      %add3A_1202 = arith.constant 0 : i32
      %add3A_1203 = arith.addi %mul3A_1201, %add3A_1202 : i32
      %get3A_1204 = arith.index_cast %add3A_1203 : i32 to index
      %get3A_1205 = memref.load %arg1[%get3A_1204] : memref<2560xi32, #tpu.memory_space<smem>>
      %get3A_1206 = arith.index_cast %get3A_1205 : i32 to index
      %get3A_1207 = arith.constant 0 : index
      %get3A_1208 = vector.load %arg2[%get3A_1206, %get3A_1207] : memref<8100x512xf32, #tpu.memory_space<vmem>>, vector<1x512xf32>
      %add3A_1209 = arith.constant 1 : i32
      %add3A_1210 = arith.addi %mul3A_1201, %add3A_1209 : i32
      %get3A_1211 = arith.index_cast %add3A_1210 : i32 to index
      %get3A_1212 = memref.load %arg1[%get3A_1211] : memref<2560xi32, #tpu.memory_space<smem>>
      %get3A_1213 = arith.index_cast %get3A_1212 : i32 to index
      %get3A_1214 = arith.constant 0 : index
      %get3A_1215 = vector.load %arg2[%get3A_1213, %get3A_1214] : memref<8100x512xf32, #tpu.memory_space<vmem>>, vector<1x512xf32>
      %add3A_1216 = arith.constant 2 : i32
      %add3A_1217 = arith.addi %mul3A_1201, %add3A_1216 : i32
      %get3A_1218 = arith.index_cast %add3A_1217 : i32 to index
      %get3A_1219 = memref.load %arg1[%get3A_1218] : memref<2560xi32, #tpu.memory_space<smem>>
      %get3A_1220 = arith.index_cast %get3A_1219 : i32 to index
      %get3A_1221 = arith.constant 0 : index
      %get3A_1222 = vector.load %arg2[%get3A_1220, %get3A_1221] : memref<8100x512xf32, #tpu.memory_space<vmem>>, vector<1x512xf32>
      %add3A_1223 = arith.constant 3 : i32
      %add3A_1224 = arith.addi %mul3A_1201, %add3A_1223 : i32
      %get3A_1225 = arith.index_cast %add3A_1224 : i32 to index
      %get3A_1226 = memref.load %arg1[%get3A_1225] : memref<2560xi32, #tpu.memory_space<smem>>
      %get3A_1227 = arith.index_cast %get3A_1226 : i32 to index
      %get3A_1228 = arith.constant 0 : index
      %get3A_1229 = vector.load %arg2[%get3A_1227, %get3A_1228] : memref<8100x512xf32, #tpu.memory_space<vmem>>, vector<1x512xf32>
      %add3A_1230 = arith.constant 4 : i32
      %add3A_1231 = arith.addi %mul3A_1201, %add3A_1230 : i32
      %get3A_1232 = arith.index_cast %add3A_1231 : i32 to index
      %get3A_1233 = memref.load %arg1[%get3A_1232] : memref<2560xi32, #tpu.memory_space<smem>>
      %get3A_1234 = arith.index_cast %get3A_1233 : i32 to index
      %get3A_1235 = arith.constant 0 : index
      %get3A_1236 = vector.load %arg2[%get3A_1234, %get3A_1235] : memref<8100x512xf32, #tpu.memory_space<vmem>>, vector<1x512xf32>
      %add3A_1237 = arith.constant 5 : i32
      %add3A_1238 = arith.addi %mul3A_1201, %add3A_1237 : i32
      %get3A_1239 = arith.index_cast %add3A_1238 : i32 to index
      %get3A_1240 = memref.load %arg1[%get3A_1239] : memref<2560xi32, #tpu.memory_space<smem>>
      %get3A_1241 = arith.index_cast %get3A_1240 : i32 to index
      %get3A_1242 = arith.constant 0 : index
      %get3A_1243 = vector.load %arg2[%get3A_1241, %get3A_1242] : memref<8100x512xf32, #tpu.memory_space<vmem>>, vector<1x512xf32>
      %add3A_1244 = arith.constant 6 : i32
      %add3A_1245 = arith.addi %mul3A_1201, %add3A_1244 : i32
      %get3A_1246 = arith.index_cast %add3A_1245 : i32 to index
      %get3A_1247 = memref.load %arg1[%get3A_1246] : memref<2560xi32, #tpu.memory_space<smem>>
      %get3A_1248 = arith.index_cast %get3A_1247 : i32 to index
      %get3A_1249 = arith.constant 0 : index
      %get3A_1250 = vector.load %arg2[%get3A_1248, %get3A_1249] : memref<8100x512xf32, #tpu.memory_space<vmem>>, vector<1x512xf32>
      %add3A_1251 = arith.constant 7 : i32
      %add3A_1252 = arith.addi %mul3A_1201, %add3A_1251 : i32
      %get3A_1253 = arith.index_cast %add3A_1252 : i32 to index
      %get3A_1254 = memref.load %arg1[%get3A_1253] : memref<2560xi32, #tpu.memory_space<smem>>
      %get3A_1255 = arith.index_cast %get3A_1254 : i32 to index
      %get3A_1256 = arith.constant 0 : index
      %get3A_1257 = vector.load %arg2[%get3A_1255, %get3A_1256] : memref<8100x512xf32, #tpu.memory_space<vmem>>, vector<1x512xf32>
      %concatenate3A_1258 = tpu.concatenate %get3A_1208, %get3A_1215, %get3A_1222, %get3A_1229, %get3A_1236, %get3A_1243, %get3A_1250, %get3A_1257 in 0 : vector<1x512xf32>, vector<1x512xf32>, vector<1x512xf32>, vector<1x512xf32>, vector<1x512xf32>, vector<1x512xf32>, vector<1x512xf32>, vector<1x512xf32> -> vector<8x512xf32>
      %swap3A_1259 = arith.index_cast %mul3A_1201 : i32 to index
      %swap3A_1260 = arith.constant 0 : index
      %swap3A_1261 = vector.load %arg3[%swap3A_1259, %swap3A_1260] : memref<2550x512xf32, #tpu.memory_space<vmem>>, vector<8x512xf32>
      tpu.vector_store %arg3[%swap3A_1259, %swap3A_1260], %concatenate3A_1258 {strides = array<i32>} : memref<2550x512xf32, #tpu.memory_space<vmem>>, vector<8x512xf32>,
      %scan3A_1262 = arith.constant 5 : i32
      %scan3A_1263 = arith.addi %scan3A_943, %scan3A_1262 : i32
      %mul3A_1264 = arith.constant 8 : i32
      %mul3A_1265 = arith.muli %scan3A_1263, %mul3A_1264 : i32
      %add3A_1266 = arith.constant 0 : i32
      %add3A_1267 = arith.addi %mul3A_1265, %add3A_1266 : i32
      %get3A_1268 = arith.index_cast %add3A_1267 : i32 to index
      %get3A_1269 = memref.load %arg1[%get3A_1268] : memref<2560xi32, #tpu.memory_space<smem>>
      %get3A_1270 = arith.index_cast %get3A_1269 : i32 to index
      %get3A_1271 = arith.constant 0 : index
      %get3A_1272 = vector.load %arg2[%get3A_1270, %get3A_1271] : memref<8100x512xf32, #tpu.memory_space<vmem>>, vector<1x512xf32>
      %add3A_1273 = arith.constant 1 : i32
      %add3A_1274 = arith.addi %mul3A_1265, %add3A_1273 : i32
      %get3A_1275 = arith.index_cast %add3A_1274 : i32 to index
      %get3A_1276 = memref.load %arg1[%get3A_1275] : memref<2560xi32, #tpu.memory_space<smem>>
      %get3A_1277 = arith.index_cast %get3A_1276 : i32 to index
      %get3A_1278 = arith.constant 0 : index
      %get3A_1279 = vector.load %arg2[%get3A_1277, %get3A_1278] : memref<8100x512xf32, #tpu.memory_space<vmem>>, vector<1x512xf32>
      %add3A_1280 = arith.constant 2 : i32
      %add3A_1281 = arith.addi %mul3A_1265, %add3A_1280 : i32
      %get3A_1282 = arith.index_cast %add3A_1281 : i32 to index
      %get3A_1283 = memref.load %arg1[%get3A_1282] : memref<2560xi32, #tpu.memory_space<smem>>
      %get3A_1284 = arith.index_cast %get3A_1283 : i32 to index
      %get3A_1285 = arith.constant 0 : index
      %get3A_1286 = vector.load %arg2[%get3A_1284, %get3A_1285] : memref<8100x512xf32, #tpu.memory_space<vmem>>, vector<1x512xf32>
      %add3A_1287 = arith.constant 3 : i32
      %add3A_1288 = arith.addi %mul3A_1265, %add3A_1287 : i32
      %get3A_1289 = arith.index_cast %add3A_1288 : i32 to index
      %get3A_1290 = memref.load %arg1[%get3A_1289] : memref<2560xi32, #tpu.memory_space<smem>>
      %get3A_1291 = arith.index_cast %get3A_1290 : i32 to index
      %get3A_1292 = arith.constant 0 : index
      %get3A_1293 = vector.load %arg2[%get3A_1291, %get3A_1292] : memref<8100x512xf32, #tpu.memory_space<vmem>>, vector<1x512xf32>
      %add3A_1294 = arith.constant 4 : i32
      %add3A_1295 = arith.addi %mul3A_1265, %add3A_1294 : i32
      %get3A_1296 = arith.index_cast %add3A_1295 : i32 to index
      %get3A_1297 = memref.load %arg1[%get3A_1296] : memref<2560xi32, #tpu.memory_space<smem>>
      %get3A_1298 = arith.index_cast %get3A_1297 : i32 to index
      %get3A_1299 = arith.constant 0 : index
      %get3A_1300 = vector.load %arg2[%get3A_1298, %get3A_1299] : memref<8100x512xf32, #tpu.memory_space<vmem>>, vector<1x512xf32>
      %add3A_1301 = arith.constant 5 : i32
      %add3A_1302 = arith.addi %mul3A_1265, %add3A_1301 : i32
      %get3A_1303 = arith.index_cast %add3A_1302 : i32 to index
      %get3A_1304 = memref.load %arg1[%get3A_1303] : memref<2560xi32, #tpu.memory_space<smem>>
      %get3A_1305 = arith.index_cast %get3A_1304 : i32 to index
      %get3A_1306 = arith.constant 0 : index
      %get3A_1307 = vector.load %arg2[%get3A_1305, %get3A_1306] : memref<8100x512xf32, #tpu.memory_space<vmem>>, vector<1x512xf32>
      %add3A_1308 = arith.constant 6 : i32
      %add3A_1309 = arith.addi %mul3A_1265, %add3A_1308 : i32
      %get3A_1310 = arith.index_cast %add3A_1309 : i32 to index
      %get3A_1311 = memref.load %arg1[%get3A_1310] : memref<2560xi32, #tpu.memory_space<smem>>
      %get3A_1312 = arith.index_cast %get3A_1311 : i32 to index
      %get3A_1313 = arith.constant 0 : index
      %get3A_1314 = vector.load %arg2[%get3A_1312, %get3A_1313] : memref<8100x512xf32, #tpu.memory_space<vmem>>, vector<1x512xf32>
      %add3A_1315 = arith.constant 7 : i32
      %add3A_1316 = arith.addi %mul3A_1265, %add3A_1315 : i32
      %get3A_1317 = arith.index_cast %add3A_1316 : i32 to index
      %get3A_1318 = memref.load %arg1[%get3A_1317] : memref<2560xi32, #tpu.memory_space<smem>>
      %get3A_1319 = arith.index_cast %get3A_1318 : i32 to index
      %get3A_1320 = arith.constant 0 : index
      %get3A_1321 = vector.load %arg2[%get3A_1319, %get3A_1320] : memref<8100x512xf32, #tpu.memory_space<vmem>>, vector<1x512xf32>
      %concatenate3A_1322 = tpu.concatenate %get3A_1272, %get3A_1279, %get3A_1286, %get3A_1293, %get3A_1300, %get3A_1307, %get3A_1314, %get3A_1321 in 0 : vector<1x512xf32>, vector<1x512xf32>, vector<1x512xf32>, vector<1x512xf32>, vector<1x512xf32>, vector<1x512xf32>, vector<1x512xf32>, vector<1x512xf32> -> vector<8x512xf32>
      %swap3A_1323 = arith.index_cast %mul3A_1265 : i32 to index
      %swap3A_1324 = arith.constant 0 : index
      %swap3A_1325 = vector.load %arg3[%swap3A_1323, %swap3A_1324] : memref<2550x512xf32, #tpu.memory_space<vmem>>, vector<8x512xf32>
      tpu.vector_store %arg3[%swap3A_1323, %swap3A_1324], %concatenate3A_1322 {strides = array<i32>} : memref<2550x512xf32, #tpu.memory_space<vmem>>, vector<8x512xf32>,
      %scan3A_1326 = arith.constant 6 : i32
      %scan3A_1327 = arith.addi %scan3A_943, %scan3A_1326 : i32
      %mul3A_1328 = arith.constant 8 : i32
      %mul3A_1329 = arith.muli %scan3A_1327, %mul3A_1328 : i32
      %add3A_1330 = arith.constant 0 : i32
      %add3A_1331 = arith.addi %mul3A_1329, %add3A_1330 : i32
      %get3A_1332 = arith.index_cast %add3A_1331 : i32 to index
      %get3A_1333 = memref.load %arg1[%get3A_1332] : memref<2560xi32, #tpu.memory_space<smem>>
      %get3A_1334 = arith.index_cast %get3A_1333 : i32 to index
      %get3A_1335 = arith.constant 0 : index
      %get3A_1336 = vector.load %arg2[%get3A_1334, %get3A_1335] : memref<8100x512xf32, #tpu.memory_space<vmem>>, vector<1x512xf32>
      %add3A_1337 = arith.constant 1 : i32
      %add3A_1338 = arith.addi %mul3A_1329, %add3A_1337 : i32
      %get3A_1339 = arith.index_cast %add3A_1338 : i32 to index
      %get3A_1340 = memref.load %arg1[%get3A_1339] : memref<2560xi32, #tpu.memory_space<smem>>
      %get3A_1341 = arith.index_cast %get3A_1340 : i32 to index
      %get3A_1342 = arith.constant 0 : index
      %get3A_1343 = vector.load %arg2[%get3A_1341, %get3A_1342] : memref<8100x512xf32, #tpu.memory_space<vmem>>, vector<1x512xf32>
      %add3A_1344 = arith.constant 2 : i32
      %add3A_1345 = arith.addi %mul3A_1329, %add3A_1344 : i32
      %get3A_1346 = arith.index_cast %add3A_1345 : i32 to index
      %get3A_1347 = memref.load %arg1[%get3A_1346] : memref<2560xi32, #tpu.memory_space<smem>>
      %get3A_1348 = arith.index_cast %get3A_1347 : i32 to index
      %get3A_1349 = arith.constant 0 : index
      %get3A_1350 = vector.load %arg2[%get3A_1348, %get3A_1349] : memref<8100x512xf32, #tpu.memory_space<vmem>>, vector<1x512xf32>
      %add3A_1351 = arith.constant 3 : i32
      %add3A_1352 = arith.addi %mul3A_1329, %add3A_1351 : i32
      %get3A_1353 = arith.index_cast %add3A_1352 : i32 to index
      %get3A_1354 = memref.load %arg1[%get3A_1353] : memref<2560xi32, #tpu.memory_space<smem>>
      %get3A_1355 = arith.index_cast %get3A_1354 : i32 to index
      %get3A_1356 = arith.constant 0 : index
      %get3A_1357 = vector.load %arg2[%get3A_1355, %get3A_1356] : memref<8100x512xf32, #tpu.memory_space<vmem>>, vector<1x512xf32>
      %add3A_1358 = arith.constant 4 : i32
      %add3A_1359 = arith.addi %mul3A_1329, %add3A_1358 : i32
      %get3A_1360 = arith.index_cast %add3A_1359 : i32 to index
      %get3A_1361 = memref.load %arg1[%get3A_1360] : memref<2560xi32, #tpu.memory_space<smem>>
      %get3A_1362 = arith.index_cast %get3A_1361 : i32 to index
      %get3A_1363 = arith.constant 0 : index
      %get3A_1364 = vector.load %arg2[%get3A_1362, %get3A_1363] : memref<8100x512xf32, #tpu.memory_space<vmem>>, vector<1x512xf32>
      %add3A_1365 = arith.constant 5 : i32
      %add3A_1366 = arith.addi %mul3A_1329, %add3A_1365 : i32
      %get3A_1367 = arith.index_cast %add3A_1366 : i32 to index
      %get3A_1368 = memref.load %arg1[%get3A_1367] : memref<2560xi32, #tpu.memory_space<smem>>
      %get3A_1369 = arith.index_cast %get3A_1368 : i32 to index
      %get3A_1370 = arith.constant 0 : index
      %get3A_1371 = vector.load %arg2[%get3A_1369, %get3A_1370] : memref<8100x512xf32, #tpu.memory_space<vmem>>, vector<1x512xf32>
      %add3A_1372 = arith.constant 6 : i32
      %add3A_1373 = arith.addi %mul3A_1329, %add3A_1372 : i32
      %get3A_1374 = arith.index_cast %add3A_1373 : i32 to index
      %get3A_1375 = memref.load %arg1[%get3A_1374] : memref<2560xi32, #tpu.memory_space<smem>>
      %get3A_1376 = arith.index_cast %get3A_1375 : i32 to index
      %get3A_1377 = arith.constant 0 : index
      %get3A_1378 = vector.load %arg2[%get3A_1376, %get3A_1377] : memref<8100x512xf32, #tpu.memory_space<vmem>>, vector<1x512xf32>
      %add3A_1379 = arith.constant 7 : i32
      %add3A_1380 = arith.addi %mul3A_1329, %add3A_1379 : i32
      %get3A_1381 = arith.index_cast %add3A_1380 : i32 to index
      %get3A_1382 = memref.load %arg1[%get3A_1381] : memref<2560xi32, #tpu.memory_space<smem>>
      %get3A_1383 = arith.index_cast %get3A_1382 : i32 to index
      %get3A_1384 = arith.constant 0 : index
      %get3A_1385 = vector.load %arg2[%get3A_1383, %get3A_1384] : memref<8100x512xf32, #tpu.memory_space<vmem>>, vector<1x512xf32>
      %concatenate3A_1386 = tpu.concatenate %get3A_1336, %get3A_1343, %get3A_1350, %get3A_1357, %get3A_1364, %get3A_1371, %get3A_1378, %get3A_1385 in 0 : vector<1x512xf32>, vector<1x512xf32>, vector<1x512xf32>, vector<1x512xf32>, vector<1x512xf32>, vector<1x512xf32>, vector<1x512xf32>, vector<1x512xf32> -> vector<8x512xf32>
      %swap3A_1387 = arith.index_cast %mul3A_1329 : i32 to index
      %swap3A_1388 = arith.constant 0 : index
      %swap3A_1389 = vector.load %arg3[%swap3A_1387, %swap3A_1388] : memref<2550x512xf32, #tpu.memory_space<vmem>>, vector<8x512xf32>
      tpu.vector_store %arg3[%swap3A_1387, %swap3A_1388], %concatenate3A_1386 {strides = array<i32>} : memref<2550x512xf32, #tpu.memory_space<vmem>>, vector<8x512xf32>,
      %scan3A_1390 = arith.constant 7 : i32
      %scan3A_1391 = arith.addi %scan3A_943, %scan3A_1390 : i32
      %mul3A_1392 = arith.constant 8 : i32
      %mul3A_1393 = arith.muli %scan3A_1391, %mul3A_1392 : i32
      %add3A_1394 = arith.constant 0 : i32
      %add3A_1395 = arith.addi %mul3A_1393, %add3A_1394 : i32
      %get3A_1396 = arith.index_cast %add3A_1395 : i32 to index
      %get3A_1397 = memref.load %arg1[%get3A_1396] : memref<2560xi32, #tpu.memory_space<smem>>
      %get3A_1398 = arith.index_cast %get3A_1397 : i32 to index
      %get3A_1399 = arith.constant 0 : index
      %get3A_1400 = vector.load %arg2[%get3A_1398, %get3A_1399] : memref<8100x512xf32, #tpu.memory_space<vmem>>, vector<1x512xf32>
      %add3A_1401 = arith.constant 1 : i32
      %add3A_1402 = arith.addi %mul3A_1393, %add3A_1401 : i32
      %get3A_1403 = arith.index_cast %add3A_1402 : i32 to index
      %get3A_1404 = memref.load %arg1[%get3A_1403] : memref<2560xi32, #tpu.memory_space<smem>>
      %get3A_1405 = arith.index_cast %get3A_1404 : i32 to index
      %get3A_1406 = arith.constant 0 : index
      %get3A_1407 = vector.load %arg2[%get3A_1405, %get3A_1406] : memref<8100x512xf32, #tpu.memory_space<vmem>>, vector<1x512xf32>
      %add3A_1408 = arith.constant 2 : i32
      %add3A_1409 = arith.addi %mul3A_1393, %add3A_1408 : i32
      %get3A_1410 = arith.index_cast %add3A_1409 : i32 to index
      %get3A_1411 = memref.load %arg1[%get3A_1410] : memref<2560xi32, #tpu.memory_space<smem>>
      %get3A_1412 = arith.index_cast %get3A_1411 : i32 to index
      %get3A_1413 = arith.constant 0 : index
      %get3A_1414 = vector.load %arg2[%get3A_1412, %get3A_1413] : memref<8100x512xf32, #tpu.memory_space<vmem>>, vector<1x512xf32>
      %add3A_1415 = arith.constant 3 : i32
      %add3A_1416 = arith.addi %mul3A_1393, %add3A_1415 : i32
      %get3A_1417 = arith.index_cast %add3A_1416 : i32 to index
      %get3A_1418 = memref.load %arg1[%get3A_1417] : memref<2560xi32, #tpu.memory_space<smem>>
      %get3A_1419 = arith.index_cast %get3A_1418 : i32 to index
      %get3A_1420 = arith.constant 0 : index
      %get3A_1421 = vector.load %arg2[%get3A_1419, %get3A_1420] : memref<8100x512xf32, #tpu.memory_space<vmem>>, vector<1x512xf32>
      %add3A_1422 = arith.constant 4 : i32
      %add3A_1423 = arith.addi %mul3A_1393, %add3A_1422 : i32
      %get3A_1424 = arith.index_cast %add3A_1423 : i32 to index
      %get3A_1425 = memref.load %arg1[%get3A_1424] : memref<2560xi32, #tpu.memory_space<smem>>
      %get3A_1426 = arith.index_cast %get3A_1425 : i32 to index
      %get3A_1427 = arith.constant 0 : index
      %get3A_1428 = vector.load %arg2[%get3A_1426, %get3A_1427] : memref<8100x512xf32, #tpu.memory_space<vmem>>, vector<1x512xf32>
      %add3A_1429 = arith.constant 5 : i32
      %add3A_1430 = arith.addi %mul3A_1393, %add3A_1429 : i32
      %get3A_1431 = arith.index_cast %add3A_1430 : i32 to index
      %get3A_1432 = memref.load %arg1[%get3A_1431] : memref<2560xi32, #tpu.memory_space<smem>>
      %get3A_1433 = arith.index_cast %get3A_1432 : i32 to index
      %get3A_1434 = arith.constant 0 : index
      %get3A_1435 = vector.load %arg2[%get3A_1433, %get3A_1434] : memref<8100x512xf32, #tpu.memory_space<vmem>>, vector<1x512xf32>
      %add3A_1436 = arith.constant 6 : i32
      %add3A_1437 = arith.addi %mul3A_1393, %add3A_1436 : i32
      %get3A_1438 = arith.index_cast %add3A_1437 : i32 to index
      %get3A_1439 = memref.load %arg1[%get3A_1438] : memref<2560xi32, #tpu.memory_space<smem>>
      %get3A_1440 = arith.index_cast %get3A_1439 : i32 to index
      %get3A_1441 = arith.constant 0 : index
      %get3A_1442 = vector.load %arg2[%get3A_1440, %get3A_1441] : memref<8100x512xf32, #tpu.memory_space<vmem>>, vector<1x512xf32>
      %add3A_1443 = arith.constant 7 : i32
      %add3A_1444 = arith.addi %mul3A_1393, %add3A_1443 : i32
      %get3A_1445 = arith.index_cast %add3A_1444 : i32 to index
      %get3A_1446 = memref.load %arg1[%get3A_1445] : memref<2560xi32, #tpu.memory_space<smem>>
      %get3A_1447 = arith.index_cast %get3A_1446 : i32 to index
      %get3A_1448 = arith.constant 0 : index
      %get3A_1449 = vector.load %arg2[%get3A_1447, %get3A_1448] : memref<8100x512xf32, #tpu.memory_space<vmem>>, vector<1x512xf32>
      %concatenate3A_1450 = tpu.concatenate %get3A_1400, %get3A_1407, %get3A_1414, %get3A_1421, %get3A_1428, %get3A_1435, %get3A_1442, %get3A_1449 in 0 : vector<1x512xf32>, vector<1x512xf32>, vector<1x512xf32>, vector<1x512xf32>, vector<1x512xf32>, vector<1x512xf32>, vector<1x512xf32>, vector<1x512xf32> -> vector<8x512xf32>
      %swap3A_1451 = arith.index_cast %mul3A_1393 : i32 to index
      %swap3A_1452 = arith.constant 0 : index
      %swap3A_1453 = vector.load %arg3[%swap3A_1451, %swap3A_1452] : memref<2550x512xf32, #tpu.memory_space<vmem>>, vector<8x512xf32>
      tpu.vector_store %arg3[%swap3A_1451, %swap3A_1452], %concatenate3A_1450 {strides = array<i32>} : memref<2550x512xf32, #tpu.memory_space<vmem>>, vector<8x512xf32>,
      %scan3A_1454 = arith.constant 8 : i32
      %scan3A_1455 = arith.addi %scan3A_943, %scan3A_1454 : i32
      %mul3A_1456 = arith.constant 8 : i32
      %mul3A_1457 = arith.muli %scan3A_1455, %mul3A_1456 : i32
      %add3A_1458 = arith.constant 0 : i32
      %add3A_1459 = arith.addi %mul3A_1457, %add3A_1458 : i32
      %get3A_1460 = arith.index_cast %add3A_1459 : i32 to index
      %get3A_1461 = memref.load %arg1[%get3A_1460] : memref<2560xi32, #tpu.memory_space<smem>>
      %get3A_1462 = arith.index_cast %get3A_1461 : i32 to index
      %get3A_1463 = arith.constant 0 : index
      %get3A_1464 = vector.load %arg2[%get3A_1462, %get3A_1463] : memref<8100x512xf32, #tpu.memory_space<vmem>>, vector<1x512xf32>
      %add3A_1465 = arith.constant 1 : i32
      %add3A_1466 = arith.addi %mul3A_1457, %add3A_1465 : i32
      %get3A_1467 = arith.index_cast %add3A_1466 : i32 to index
      %get3A_1468 = memref.load %arg1[%get3A_1467] : memref<2560xi32, #tpu.memory_space<smem>>
      %get3A_1469 = arith.index_cast %get3A_1468 : i32 to index
      %get3A_1470 = arith.constant 0 : index
      %get3A_1471 = vector.load %arg2[%get3A_1469, %get3A_1470] : memref<8100x512xf32, #tpu.memory_space<vmem>>, vector<1x512xf32>
      %add3A_1472 = arith.constant 2 : i32
      %add3A_1473 = arith.addi %mul3A_1457, %add3A_1472 : i32
      %get3A_1474 = arith.index_cast %add3A_1473 : i32 to index
      %get3A_1475 = memref.load %arg1[%get3A_1474] : memref<2560xi32, #tpu.memory_space<smem>>
      %get3A_1476 = arith.index_cast %get3A_1475 : i32 to index
      %get3A_1477 = arith.constant 0 : index
      %get3A_1478 = vector.load %arg2[%get3A_1476, %get3A_1477] : memref<8100x512xf32, #tpu.memory_space<vmem>>, vector<1x512xf32>
      %add3A_1479 = arith.constant 3 : i32
      %add3A_1480 = arith.addi %mul3A_1457, %add3A_1479 : i32
      %get3A_1481 = arith.index_cast %add3A_1480 : i32 to index
      %get3A_1482 = memref.load %arg1[%get3A_1481] : memref<2560xi32, #tpu.memory_space<smem>>
      %get3A_1483 = arith.index_cast %get3A_1482 : i32 to index
      %get3A_1484 = arith.constant 0 : index
      %get3A_1485 = vector.load %arg2[%get3A_1483, %get3A_1484] : memref<8100x512xf32, #tpu.memory_space<vmem>>, vector<1x512xf32>
      %add3A_1486 = arith.constant 4 : i32
      %add3A_1487 = arith.addi %mul3A_1457, %add3A_1486 : i32
      %get3A_1488 = arith.index_cast %add3A_1487 : i32 to index
      %get3A_1489 = memref.load %arg1[%get3A_1488] : memref<2560xi32, #tpu.memory_space<smem>>
      %get3A_1490 = arith.index_cast %get3A_1489 : i32 to index
      %get3A_1491 = arith.constant 0 : index
      %get3A_1492 = vector.load %arg2[%get3A_1490, %get3A_1491] : memref<8100x512xf32, #tpu.memory_space<vmem>>, vector<1x512xf32>
      %add3A_1493 = arith.constant 5 : i32
      %add3A_1494 = arith.addi %mul3A_1457, %add3A_1493 : i32
      %get3A_1495 = arith.index_cast %add3A_1494 : i32 to index
      %get3A_1496 = memref.load %arg1[%get3A_1495] : memref<2560xi32, #tpu.memory_space<smem>>
      %get3A_1497 = arith.index_cast %get3A_1496 : i32 to index
      %get3A_1498 = arith.constant 0 : index
      %get3A_1499 = vector.load %arg2[%get3A_1497, %get3A_1498] : memref<8100x512xf32, #tpu.memory_space<vmem>>, vector<1x512xf32>
      %add3A_1500 = arith.constant 6 : i32
      %add3A_1501 = arith.addi %mul3A_1457, %add3A_1500 : i32
      %get3A_1502 = arith.index_cast %add3A_1501 : i32 to index
      %get3A_1503 = memref.load %arg1[%get3A_1502] : memref<2560xi32, #tpu.memory_space<smem>>
      %get3A_1504 = arith.index_cast %get3A_1503 : i32 to index
      %get3A_1505 = arith.constant 0 : index
      %get3A_1506 = vector.load %arg2[%get3A_1504, %get3A_1505] : memref<8100x512xf32, #tpu.memory_space<vmem>>, vector<1x512xf32>
      %add3A_1507 = arith.constant 7 : i32
      %add3A_1508 = arith.addi %mul3A_1457, %add3A_1507 : i32
      %get3A_1509 = arith.index_cast %add3A_1508 : i32 to index
      %get3A_1510 = memref.load %arg1[%get3A_1509] : memref<2560xi32, #tpu.memory_space<smem>>
      %get3A_1511 = arith.index_cast %get3A_1510 : i32 to index
      %get3A_1512 = arith.constant 0 : index
      %get3A_1513 = vector.load %arg2[%get3A_1511, %get3A_1512] : memref<8100x512xf32, #tpu.memory_space<vmem>>, vector<1x512xf32>
      %concatenate3A_1514 = tpu.concatenate %get3A_1464, %get3A_1471, %get3A_1478, %get3A_1485, %get3A_1492, %get3A_1499, %get3A_1506, %get3A_1513 in 0 : vector<1x512xf32>, vector<1x512xf32>, vector<1x512xf32>, vector<1x512xf32>, vector<1x512xf32>, vector<1x512xf32>, vector<1x512xf32>, vector<1x512xf32> -> vector<8x512xf32>
      %swap3A_1515 = arith.index_cast %mul3A_1457 : i32 to index
      %swap3A_1516 = arith.constant 0 : index
      %swap3A_1517 = vector.load %arg3[%swap3A_1515, %swap3A_1516] : memref<2550x512xf32, #tpu.memory_space<vmem>>, vector<8x512xf32>
      tpu.vector_store %arg3[%swap3A_1515, %swap3A_1516], %concatenate3A_1514 {strides = array<i32>} : memref<2550x512xf32, #tpu.memory_space<vmem>>, vector<8x512xf32>,
      %scan3A_1518 = arith.constant 9 : i32
      %scan3A_1519 = arith.addi %scan3A_943, %scan3A_1518 : i32
      %mul3A_1520 = arith.constant 8 : i32
      %mul3A_1521 = arith.muli %scan3A_1519, %mul3A_1520 : i32
      %add3A_1522 = arith.constant 0 : i32
      %add3A_1523 = arith.addi %mul3A_1521, %add3A_1522 : i32
      %get3A_1524 = arith.index_cast %add3A_1523 : i32 to index
      %get3A_1525 = memref.load %arg1[%get3A_1524] : memref<2560xi32, #tpu.memory_space<smem>>
      %get3A_1526 = arith.index_cast %get3A_1525 : i32 to index
      %get3A_1527 = arith.constant 0 : index
      %get3A_1528 = vector.load %arg2[%get3A_1526, %get3A_1527] : memref<8100x512xf32, #tpu.memory_space<vmem>>, vector<1x512xf32>
      %add3A_1529 = arith.constant 1 : i32
      %add3A_1530 = arith.addi %mul3A_1521, %add3A_1529 : i32
      %get3A_1531 = arith.index_cast %add3A_1530 : i32 to index
      %get3A_1532 = memref.load %arg1[%get3A_1531] : memref<2560xi32, #tpu.memory_space<smem>>
      %get3A_1533 = arith.index_cast %get3A_1532 : i32 to index
      %get3A_1534 = arith.constant 0 : index
      %get3A_1535 = vector.load %arg2[%get3A_1533, %get3A_1534] : memref<8100x512xf32, #tpu.memory_space<vmem>>, vector<1x512xf32>
      %add3A_1536 = arith.constant 2 : i32
      %add3A_1537 = arith.addi %mul3A_1521, %add3A_1536 : i32
      %get3A_1538 = arith.index_cast %add3A_1537 : i32 to index
      %get3A_1539 = memref.load %arg1[%get3A_1538] : memref<2560xi32, #tpu.memory_space<smem>>
      %get3A_1540 = arith.index_cast %get3A_1539 : i32 to index
      %get3A_1541 = arith.constant 0 : index
      %get3A_1542 = vector.load %arg2[%get3A_1540, %get3A_1541] : memref<8100x512xf32, #tpu.memory_space<vmem>>, vector<1x512xf32>
      %add3A_1543 = arith.constant 3 : i32
      %add3A_1544 = arith.addi %mul3A_1521, %add3A_1543 : i32
      %get3A_1545 = arith.index_cast %add3A_1544 : i32 to index
      %get3A_1546 = memref.load %arg1[%get3A_1545] : memref<2560xi32, #tpu.memory_space<smem>>
      %get3A_1547 = arith.index_cast %get3A_1546 : i32 to index
      %get3A_1548 = arith.constant 0 : index
      %get3A_1549 = vector.load %arg2[%get3A_1547, %get3A_1548] : memref<8100x512xf32, #tpu.memory_space<vmem>>, vector<1x512xf32>
      %add3A_1550 = arith.constant 4 : i32
      %add3A_1551 = arith.addi %mul3A_1521, %add3A_1550 : i32
      %get3A_1552 = arith.index_cast %add3A_1551 : i32 to index
      %get3A_1553 = memref.load %arg1[%get3A_1552] : memref<2560xi32, #tpu.memory_space<smem>>
      %get3A_1554 = arith.index_cast %get3A_1553 : i32 to index
      %get3A_1555 = arith.constant 0 : index
      %get3A_1556 = vector.load %arg2[%get3A_1554, %get3A_1555] : memref<8100x512xf32, #tpu.memory_space<vmem>>, vector<1x512xf32>
      %add3A_1557 = arith.constant 5 : i32
      %add3A_1558 = arith.addi %mul3A_1521, %add3A_1557 : i32
      %get3A_1559 = arith.index_cast %add3A_1558 : i32 to index
      %get3A_1560 = memref.load %arg1[%get3A_1559] : memref<2560xi32, #tpu.memory_space<smem>>
      %get3A_1561 = arith.index_cast %get3A_1560 : i32 to index
      %get3A_1562 = arith.constant 0 : index
      %get3A_1563 = vector.load %arg2[%get3A_1561, %get3A_1562] : memref<8100x512xf32, #tpu.memory_space<vmem>>, vector<1x512xf32>
      %add3A_1564 = arith.constant 6 : i32
      %add3A_1565 = arith.addi %mul3A_1521, %add3A_1564 : i32
      %get3A_1566 = arith.index_cast %add3A_1565 : i32 to index
      %get3A_1567 = memref.load %arg1[%get3A_1566] : memref<2560xi32, #tpu.memory_space<smem>>
      %get3A_1568 = arith.index_cast %get3A_1567 : i32 to index
      %get3A_1569 = arith.constant 0 : index
      %get3A_1570 = vector.load %arg2[%get3A_1568, %get3A_1569] : memref<8100x512xf32, #tpu.memory_space<vmem>>, vector<1x512xf32>
      %add3A_1571 = arith.constant 7 : i32
      %add3A_1572 = arith.addi %mul3A_1521, %add3A_1571 : i32
      %get3A_1573 = arith.index_cast %add3A_1572 : i32 to index
      %get3A_1574 = memref.load %arg1[%get3A_1573] : memref<2560xi32, #tpu.memory_space<smem>>
      %get3A_1575 = arith.index_cast %get3A_1574 : i32 to index
      %get3A_1576 = arith.constant 0 : index
      %get3A_1577 = vector.load %arg2[%get3A_1575, %get3A_1576] : memref<8100x512xf32, #tpu.memory_space<vmem>>, vector<1x512xf32>
      %concatenate3A_1578 = tpu.concatenate %get3A_1528, %get3A_1535, %get3A_1542, %get3A_1549, %get3A_1556, %get3A_1563, %get3A_1570, %get3A_1577 in 0 : vector<1x512xf32>, vector<1x512xf32>, vector<1x512xf32>, vector<1x512xf32>, vector<1x512xf32>, vector<1x512xf32>, vector<1x512xf32>, vector<1x512xf32> -> vector<8x512xf32>
      %swap3A_1579 = arith.index_cast %mul3A_1521 : i32 to index
      %swap3A_1580 = arith.constant 0 : index
      %swap3A_1581 = vector.load %arg3[%swap3A_1579, %swap3A_1580] : memref<2550x512xf32, #tpu.memory_space<vmem>>, vector<8x512xf32>
      tpu.vector_store %arg3[%swap3A_1579, %swap3A_1580], %concatenate3A_1578 {strides = array<i32>} : memref<2550x512xf32, #tpu.memory_space<vmem>>, vector<8x512xf32>,
      %scan3A_1582 = arith.constant 10 : i32
      %scan3A_1583 = arith.addi %scan3A_943, %scan3A_1582 : i32
      %mul3A_1584 = arith.constant 8 : i32
      %mul3A_1585 = arith.muli %scan3A_1583, %mul3A_1584 : i32
      %add3A_1586 = arith.constant 0 : i32
      %add3A_1587 = arith.addi %mul3A_1585, %add3A_1586 : i32
      %get3A_1588 = arith.index_cast %add3A_1587 : i32 to index
      %get3A_1589 = memref.load %arg1[%get3A_1588] : memref<2560xi32, #tpu.memory_space<smem>>
      %get3A_1590 = arith.index_cast %get3A_1589 : i32 to index
      %get3A_1591 = arith.constant 0 : index
      %get3A_1592 = vector.load %arg2[%get3A_1590, %get3A_1591] : memref<8100x512xf32, #tpu.memory_space<vmem>>, vector<1x512xf32>
      %add3A_1593 = arith.constant 1 : i32
      %add3A_1594 = arith.addi %mul3A_1585, %add3A_1593 : i32
      %get3A_1595 = arith.index_cast %add3A_1594 : i32 to index
      %get3A_1596 = memref.load %arg1[%get3A_1595] : memref<2560xi32, #tpu.memory_space<smem>>
      %get3A_1597 = arith.index_cast %get3A_1596 : i32 to index
      %get3A_1598 = arith.constant 0 : index
      %get3A_1599 = vector.load %arg2[%get3A_1597, %get3A_1598] : memref<8100x512xf32, #tpu.memory_space<vmem>>, vector<1x512xf32>
      %add3A_1600 = arith.constant 2 : i32
      %add3A_1601 = arith.addi %mul3A_1585, %add3A_1600 : i32
      %get3A_1602 = arith.index_cast %add3A_1601 : i32 to index
      %get3A_1603 = memref.load %arg1[%get3A_1602] : memref<2560xi32, #tpu.memory_space<smem>>
      %get3A_1604 = arith.index_cast %get3A_1603 : i32 to index
      %get3A_1605 = arith.constant 0 : index
      %get3A_1606 = vector.load %arg2[%get3A_1604, %get3A_1605] : memref<8100x512xf32, #tpu.memory_space<vmem>>, vector<1x512xf32>
      %add3A_1607 = arith.constant 3 : i32
      %add3A_1608 = arith.addi %mul3A_1585, %add3A_1607 : i32
      %get3A_1609 = arith.index_cast %add3A_1608 : i32 to index
      %get3A_1610 = memref.load %arg1[%get3A_1609] : memref<2560xi32, #tpu.memory_space<smem>>
      %get3A_1611 = arith.index_cast %get3A_1610 : i32 to index
      %get3A_1612 = arith.constant 0 : index
      %get3A_1613 = vector.load %arg2[%get3A_1611, %get3A_1612] : memref<8100x512xf32, #tpu.memory_space<vmem>>, vector<1x512xf32>
      %add3A_1614 = arith.constant 4 : i32
      %add3A_1615 = arith.addi %mul3A_1585, %add3A_1614 : i32
      %get3A_1616 = arith.index_cast %add3A_1615 : i32 to index
      %get3A_1617 = memref.load %arg1[%get3A_1616] : memref<2560xi32, #tpu.memory_space<smem>>
      %get3A_1618 = arith.index_cast %get3A_1617 : i32 to index
      %get3A_1619 = arith.constant 0 : index
      %get3A_1620 = vector.load %arg2[%get3A_1618, %get3A_1619] : memref<8100x512xf32, #tpu.memory_space<vmem>>, vector<1x512xf32>
      %add3A_1621 = arith.constant 5 : i32
      %add3A_1622 = arith.addi %mul3A_1585, %add3A_1621 : i32
      %get3A_1623 = arith.index_cast %add3A_1622 : i32 to index
      %get3A_1624 = memref.load %arg1[%get3A_1623] : memref<2560xi32, #tpu.memory_space<smem>>
      %get3A_1625 = arith.index_cast %get3A_1624 : i32 to index
      %get3A_1626 = arith.constant 0 : index
      %get3A_1627 = vector.load %arg2[%get3A_1625, %get3A_1626] : memref<8100x512xf32, #tpu.memory_space<vmem>>, vector<1x512xf32>
      %add3A_1628 = arith.constant 6 : i32
      %add3A_1629 = arith.addi %mul3A_1585, %add3A_1628 : i32
      %get3A_1630 = arith.index_cast %add3A_1629 : i32 to index
      %get3A_1631 = memref.load %arg1[%get3A_1630] : memref<2560xi32, #tpu.memory_space<smem>>
      %get3A_1632 = arith.index_cast %get3A_1631 : i32 to index
      %get3A_1633 = arith.constant 0 : index
      %get3A_1634 = vector.load %arg2[%get3A_1632, %get3A_1633] : memref<8100x512xf32, #tpu.memory_space<vmem>>, vector<1x512xf32>
      %add3A_1635 = arith.constant 7 : i32
      %add3A_1636 = arith.addi %mul3A_1585, %add3A_1635 : i32
      %get3A_1637 = arith.index_cast %add3A_1636 : i32 to index
      %get3A_1638 = memref.load %arg1[%get3A_1637] : memref<2560xi32, #tpu.memory_space<smem>>
      %get3A_1639 = arith.index_cast %get3A_1638 : i32 to index
      %get3A_1640 = arith.constant 0 : index
      %get3A_1641 = vector.load %arg2[%get3A_1639, %get3A_1640] : memref<8100x512xf32, #tpu.memory_space<vmem>>, vector<1x512xf32>
      %concatenate3A_1642 = tpu.concatenate %get3A_1592, %get3A_1599, %get3A_1606, %get3A_1613, %get3A_1620, %get3A_1627, %get3A_1634, %get3A_1641 in 0 : vector<1x512xf32>, vector<1x512xf32>, vector<1x512xf32>, vector<1x512xf32>, vector<1x512xf32>, vector<1x512xf32>, vector<1x512xf32>, vector<1x512xf32> -> vector<8x512xf32>
      %swap3A_1643 = arith.index_cast %mul3A_1585 : i32 to index
      %swap3A_1644 = arith.constant 0 : index
      %swap3A_1645 = vector.load %arg3[%swap3A_1643, %swap3A_1644] : memref<2550x512xf32, #tpu.memory_space<vmem>>, vector<8x512xf32>
      tpu.vector_store %arg3[%swap3A_1643, %swap3A_1644], %concatenate3A_1642 {strides = array<i32>} : memref<2550x512xf32, #tpu.memory_space<vmem>>, vector<8x512xf32>,
      %scan3A_1646 = arith.constant 11 : i32
      %scan3A_1647 = arith.addi %scan3A_943, %scan3A_1646 : i32
      %mul3A_1648 = arith.constant 8 : i32
      %mul3A_1649 = arith.muli %scan3A_1647, %mul3A_1648 : i32
      %add3A_1650 = arith.constant 0 : i32
      %add3A_1651 = arith.addi %mul3A_1649, %add3A_1650 : i32
      %get3A_1652 = arith.index_cast %add3A_1651 : i32 to index
      %get3A_1653 = memref.load %arg1[%get3A_1652] : memref<2560xi32, #tpu.memory_space<smem>>
      %get3A_1654 = arith.index_cast %get3A_1653 : i32 to index
      %get3A_1655 = arith.constant 0 : index
      %get3A_1656 = vector.load %arg2[%get3A_1654, %get3A_1655] : memref<8100x512xf32, #tpu.memory_space<vmem>>, vector<1x512xf32>
      %add3A_1657 = arith.constant 1 : i32
      %add3A_1658 = arith.addi %mul3A_1649, %add3A_1657 : i32
      %get3A_1659 = arith.index_cast %add3A_1658 : i32 to index
      %get3A_1660 = memref.load %arg1[%get3A_1659] : memref<2560xi32, #tpu.memory_space<smem>>
      %get3A_1661 = arith.index_cast %get3A_1660 : i32 to index
      %get3A_1662 = arith.constant 0 : index
      %get3A_1663 = vector.load %arg2[%get3A_1661, %get3A_1662] : memref<8100x512xf32, #tpu.memory_space<vmem>>, vector<1x512xf32>
      %add3A_1664 = arith.constant 2 : i32
      %add3A_1665 = arith.addi %mul3A_1649, %add3A_1664 : i32
      %get3A_1666 = arith.index_cast %add3A_1665 : i32 to index
      %get3A_1667 = memref.load %arg1[%get3A_1666] : memref<2560xi32, #tpu.memory_space<smem>>
      %get3A_1668 = arith.index_cast %get3A_1667 : i32 to index
      %get3A_1669 = arith.constant 0 : index
      %get3A_1670 = vector.load %arg2[%get3A_1668, %get3A_1669] : memref<8100x512xf32, #tpu.memory_space<vmem>>, vector<1x512xf32>
      %add3A_1671 = arith.constant 3 : i32
      %add3A_1672 = arith.addi %mul3A_1649, %add3A_1671 : i32
      %get3A_1673 = arith.index_cast %add3A_1672 : i32 to index
      %get3A_1674 = memref.load %arg1[%get3A_1673] : memref<2560xi32, #tpu.memory_space<smem>>
      %get3A_1675 = arith.index_cast %get3A_1674 : i32 to index
      %get3A_1676 = arith.constant 0 : index
      %get3A_1677 = vector.load %arg2[%get3A_1675, %get3A_1676] : memref<8100x512xf32, #tpu.memory_space<vmem>>, vector<1x512xf32>
      %add3A_1678 = arith.constant 4 : i32
      %add3A_1679 = arith.addi %mul3A_1649, %add3A_1678 : i32
      %get3A_1680 = arith.index_cast %add3A_1679 : i32 to index
      %get3A_1681 = memref.load %arg1[%get3A_1680] : memref<2560xi32, #tpu.memory_space<smem>>
      %get3A_1682 = arith.index_cast %get3A_1681 : i32 to index
      %get3A_1683 = arith.constant 0 : index
      %get3A_1684 = vector.load %arg2[%get3A_1682, %get3A_1683] : memref<8100x512xf32, #tpu.memory_space<vmem>>, vector<1x512xf32>
      %add3A_1685 = arith.constant 5 : i32
      %add3A_1686 = arith.addi %mul3A_1649, %add3A_1685 : i32
      %get3A_1687 = arith.index_cast %add3A_1686 : i32 to index
      %get3A_1688 = memref.load %arg1[%get3A_1687] : memref<2560xi32, #tpu.memory_space<smem>>
      %get3A_1689 = arith.index_cast %get3A_1688 : i32 to index
      %get3A_1690 = arith.constant 0 : index
      %get3A_1691 = vector.load %arg2[%get3A_1689, %get3A_1690] : memref<8100x512xf32, #tpu.memory_space<vmem>>, vector<1x512xf32>
      %add3A_1692 = arith.constant 6 : i32
      %add3A_1693 = arith.addi %mul3A_1649, %add3A_1692 : i32
      %get3A_1694 = arith.index_cast %add3A_1693 : i32 to index
      %get3A_1695 = memref.load %arg1[%get3A_1694] : memref<2560xi32, #tpu.memory_space<smem>>
      %get3A_1696 = arith.index_cast %get3A_1695 : i32 to index
      %get3A_1697 = arith.constant 0 : index
      %get3A_1698 = vector.load %arg2[%get3A_1696, %get3A_1697] : memref<8100x512xf32, #tpu.memory_space<vmem>>, vector<1x512xf32>
      %add3A_1699 = arith.constant 7 : i32
      %add3A_1700 = arith.addi %mul3A_1649, %add3A_1699 : i32
      %get3A_1701 = arith.index_cast %add3A_1700 : i32 to index
      %get3A_1702 = memref.load %arg1[%get3A_1701] : memref<2560xi32, #tpu.memory_space<smem>>
      %get3A_1703 = arith.index_cast %get3A_1702 : i32 to index
      %get3A_1704 = arith.constant 0 : index
      %get3A_1705 = vector.load %arg2[%get3A_1703, %get3A_1704] : memref<8100x512xf32, #tpu.memory_space<vmem>>, vector<1x512xf32>
      %concatenate3A_1706 = tpu.concatenate %get3A_1656, %get3A_1663, %get3A_1670, %get3A_1677, %get3A_1684, %get3A_1691, %get3A_1698, %get3A_1705 in 0 : vector<1x512xf32>, vector<1x512xf32>, vector<1x512xf32>, vector<1x512xf32>, vector<1x512xf32>, vector<1x512xf32>, vector<1x512xf32>, vector<1x512xf32> -> vector<8x512xf32>
      %swap3A_1707 = arith.index_cast %mul3A_1649 : i32 to index
      %swap3A_1708 = arith.constant 0 : index
      %swap3A_1709 = vector.load %arg3[%swap3A_1707, %swap3A_1708] : memref<2550x512xf32, #tpu.memory_space<vmem>>, vector<8x512xf32>
      tpu.vector_store %arg3[%swap3A_1707, %swap3A_1708], %concatenate3A_1706 {strides = array<i32>} : memref<2550x512xf32, #tpu.memory_space<vmem>>, vector<8x512xf32>,
      %scan3A_1710 = arith.constant 12 : i32
      %scan3A_1711 = arith.addi %scan3A_943, %scan3A_1710 : i32
      %mul3A_1712 = arith.constant 8 : i32
      %mul3A_1713 = arith.muli %scan3A_1711, %mul3A_1712 : i32
      %add3A_1714 = arith.constant 0 : i32
      %add3A_1715 = arith.addi %mul3A_1713, %add3A_1714 : i32
      %get3A_1716 = arith.index_cast %add3A_1715 : i32 to index
      %get3A_1717 = memref.load %arg1[%get3A_1716] : memref<2560xi32, #tpu.memory_space<smem>>
      %get3A_1718 = arith.index_cast %get3A_1717 : i32 to index
      %get3A_1719 = arith.constant 0 : index
      %get3A_1720 = vector.load %arg2[%get3A_1718, %get3A_1719] : memref<8100x512xf32, #tpu.memory_space<vmem>>, vector<1x512xf32>
      %add3A_1721 = arith.constant 1 : i32
      %add3A_1722 = arith.addi %mul3A_1713, %add3A_1721 : i32
      %get3A_1723 = arith.index_cast %add3A_1722 : i32 to index
      %get3A_1724 = memref.load %arg1[%get3A_1723] : memref<2560xi32, #tpu.memory_space<smem>>
      %get3A_1725 = arith.index_cast %get3A_1724 : i32 to index
      %get3A_1726 = arith.constant 0 : index
      %get3A_1727 = vector.load %arg2[%get3A_1725, %get3A_1726] : memref<8100x512xf32, #tpu.memory_space<vmem>>, vector<1x512xf32>
      %add3A_1728 = arith.constant 2 : i32
      %add3A_1729 = arith.addi %mul3A_1713, %add3A_1728 : i32
      %get3A_1730 = arith.index_cast %add3A_1729 : i32 to index
      %get3A_1731 = memref.load %arg1[%get3A_1730] : memref<2560xi32, #tpu.memory_space<smem>>
      %get3A_1732 = arith.index_cast %get3A_1731 : i32 to index
      %get3A_1733 = arith.constant 0 : index
      %get3A_1734 = vector.load %arg2[%get3A_1732, %get3A_1733] : memref<8100x512xf32, #tpu.memory_space<vmem>>, vector<1x512xf32>
      %add3A_1735 = arith.constant 3 : i32
      %add3A_1736 = arith.addi %mul3A_1713, %add3A_1735 : i32
      %get3A_1737 = arith.index_cast %add3A_1736 : i32 to index
      %get3A_1738 = memref.load %arg1[%get3A_1737] : memref<2560xi32, #tpu.memory_space<smem>>
      %get3A_1739 = arith.index_cast %get3A_1738 : i32 to index
      %get3A_1740 = arith.constant 0 : index
      %get3A_1741 = vector.load %arg2[%get3A_1739, %get3A_1740] : memref<8100x512xf32, #tpu.memory_space<vmem>>, vector<1x512xf32>
      %add3A_1742 = arith.constant 4 : i32
      %add3A_1743 = arith.addi %mul3A_1713, %add3A_1742 : i32
      %get3A_1744 = arith.index_cast %add3A_1743 : i32 to index
      %get3A_1745 = memref.load %arg1[%get3A_1744] : memref<2560xi32, #tpu.memory_space<smem>>
      %get3A_1746 = arith.index_cast %get3A_1745 : i32 to index
      %get3A_1747 = arith.constant 0 : index
      %get3A_1748 = vector.load %arg2[%get3A_1746, %get3A_1747] : memref<8100x512xf32, #tpu.memory_space<vmem>>, vector<1x512xf32>
      %add3A_1749 = arith.constant 5 : i32
      %add3A_1750 = arith.addi %mul3A_1713, %add3A_1749 : i32
      %get3A_1751 = arith.index_cast %add3A_1750 : i32 to index
      %get3A_1752 = memref.load %arg1[%get3A_1751] : memref<2560xi32, #tpu.memory_space<smem>>
      %get3A_1753 = arith.index_cast %get3A_1752 : i32 to index
      %get3A_1754 = arith.constant 0 : index
      %get3A_1755 = vector.load %arg2[%get3A_1753, %get3A_1754] : memref<8100x512xf32, #tpu.memory_space<vmem>>, vector<1x512xf32>
      %add3A_1756 = arith.constant 6 : i32
      %add3A_1757 = arith.addi %mul3A_1713, %add3A_1756 : i32
      %get3A_1758 = arith.index_cast %add3A_1757 : i32 to index
      %get3A_1759 = memref.load %arg1[%get3A_1758] : memref<2560xi32, #tpu.memory_space<smem>>
      %get3A_1760 = arith.index_cast %get3A_1759 : i32 to index
      %get3A_1761 = arith.constant 0 : index
      %get3A_1762 = vector.load %arg2[%get3A_1760, %get3A_1761] : memref<8100x512xf32, #tpu.memory_space<vmem>>, vector<1x512xf32>
      %add3A_1763 = arith.constant 7 : i32
      %add3A_1764 = arith.addi %mul3A_1713, %add3A_1763 : i32
      %get3A_1765 = arith.index_cast %add3A_1764 : i32 to index
      %get3A_1766 = memref.load %arg1[%get3A_1765] : memref<2560xi32, #tpu.memory_space<smem>>
      %get3A_1767 = arith.index_cast %get3A_1766 : i32 to index
      %get3A_1768 = arith.constant 0 : index
      %get3A_1769 = vector.load %arg2[%get3A_1767, %get3A_1768] : memref<8100x512xf32, #tpu.memory_space<vmem>>, vector<1x512xf32>
      %concatenate3A_1770 = tpu.concatenate %get3A_1720, %get3A_1727, %get3A_1734, %get3A_1741, %get3A_1748, %get3A_1755, %get3A_1762, %get3A_1769 in 0 : vector<1x512xf32>, vector<1x512xf32>, vector<1x512xf32>, vector<1x512xf32>, vector<1x512xf32>, vector<1x512xf32>, vector<1x512xf32>, vector<1x512xf32> -> vector<8x512xf32>
      %swap3A_1771 = arith.index_cast %mul3A_1713 : i32 to index
      %swap3A_1772 = arith.constant 0 : index
      %swap3A_1773 = vector.load %arg3[%swap3A_1771, %swap3A_1772] : memref<2550x512xf32, #tpu.memory_space<vmem>>, vector<8x512xf32>
      tpu.vector_store %arg3[%swap3A_1771, %swap3A_1772], %concatenate3A_1770 {strides = array<i32>} : memref<2550x512xf32, #tpu.memory_space<vmem>>, vector<8x512xf32>,
      %scan3A_1774 = arith.constant 13 : i32
      %scan3A_1775 = arith.addi %scan3A_943, %scan3A_1774 : i32
      %mul3A_1776 = arith.constant 8 : i32
      %mul3A_1777 = arith.muli %scan3A_1775, %mul3A_1776 : i32
      %add3A_1778 = arith.constant 0 : i32
      %add3A_1779 = arith.addi %mul3A_1777, %add3A_1778 : i32
      %get3A_1780 = arith.index_cast %add3A_1779 : i32 to index
      %get3A_1781 = memref.load %arg1[%get3A_1780] : memref<2560xi32, #tpu.memory_space<smem>>
      %get3A_1782 = arith.index_cast %get3A_1781 : i32 to index
      %get3A_1783 = arith.constant 0 : index
      %get3A_1784 = vector.load %arg2[%get3A_1782, %get3A_1783] : memref<8100x512xf32, #tpu.memory_space<vmem>>, vector<1x512xf32>
      %add3A_1785 = arith.constant 1 : i32
      %add3A_1786 = arith.addi %mul3A_1777, %add3A_1785 : i32
      %get3A_1787 = arith.index_cast %add3A_1786 : i32 to index
      %get3A_1788 = memref.load %arg1[%get3A_1787] : memref<2560xi32, #tpu.memory_space<smem>>
      %get3A_1789 = arith.index_cast %get3A_1788 : i32 to index
      %get3A_1790 = arith.constant 0 : index
      %get3A_1791 = vector.load %arg2[%get3A_1789, %get3A_1790] : memref<8100x512xf32, #tpu.memory_space<vmem>>, vector<1x512xf32>
      %add3A_1792 = arith.constant 2 : i32
      %add3A_1793 = arith.addi %mul3A_1777, %add3A_1792 : i32
      %get3A_1794 = arith.index_cast %add3A_1793 : i32 to index
      %get3A_1795 = memref.load %arg1[%get3A_1794] : memref<2560xi32, #tpu.memory_space<smem>>
      %get3A_1796 = arith.index_cast %get3A_1795 : i32 to index
      %get3A_1797 = arith.constant 0 : index
      %get3A_1798 = vector.load %arg2[%get3A_1796, %get3A_1797] : memref<8100x512xf32, #tpu.memory_space<vmem>>, vector<1x512xf32>
      %add3A_1799 = arith.constant 3 : i32
      %add3A_1800 = arith.addi %mul3A_1777, %add3A_1799 : i32
      %get3A_1801 = arith.index_cast %add3A_1800 : i32 to index
      %get3A_1802 = memref.load %arg1[%get3A_1801] : memref<2560xi32, #tpu.memory_space<smem>>
      %get3A_1803 = arith.index_cast %get3A_1802 : i32 to index
      %get3A_1804 = arith.constant 0 : index
      %get3A_1805 = vector.load %arg2[%get3A_1803, %get3A_1804] : memref<8100x512xf32, #tpu.memory_space<vmem>>, vector<1x512xf32>
      %add3A_1806 = arith.constant 4 : i32
      %add3A_1807 = arith.addi %mul3A_1777, %add3A_1806 : i32
      %get3A_1808 = arith.index_cast %add3A_1807 : i32 to index
      %get3A_1809 = memref.load %arg1[%get3A_1808] : memref<2560xi32, #tpu.memory_space<smem>>
      %get3A_1810 = arith.index_cast %get3A_1809 : i32 to index
      %get3A_1811 = arith.constant 0 : index
      %get3A_1812 = vector.load %arg2[%get3A_1810, %get3A_1811] : memref<8100x512xf32, #tpu.memory_space<vmem>>, vector<1x512xf32>
      %add3A_1813 = arith.constant 5 : i32
      %add3A_1814 = arith.addi %mul3A_1777, %add3A_1813 : i32
      %get3A_1815 = arith.index_cast %add3A_1814 : i32 to index
      %get3A_1816 = memref.load %arg1[%get3A_1815] : memref<2560xi32, #tpu.memory_space<smem>>
      %get3A_1817 = arith.index_cast %get3A_1816 : i32 to index
      %get3A_1818 = arith.constant 0 : index
      %get3A_1819 = vector.load %arg2[%get3A_1817, %get3A_1818] : memref<8100x512xf32, #tpu.memory_space<vmem>>, vector<1x512xf32>
      %add3A_1820 = arith.constant 6 : i32
      %add3A_1821 = arith.addi %mul3A_1777, %add3A_1820 : i32
      %get3A_1822 = arith.index_cast %add3A_1821 : i32 to index
      %get3A_1823 = memref.load %arg1[%get3A_1822] : memref<2560xi32, #tpu.memory_space<smem>>
      %get3A_1824 = arith.index_cast %get3A_1823 : i32 to index
      %get3A_1825 = arith.constant 0 : index
      %get3A_1826 = vector.load %arg2[%get3A_1824, %get3A_1825] : memref<8100x512xf32, #tpu.memory_space<vmem>>, vector<1x512xf32>
      %add3A_1827 = arith.constant 7 : i32
      %add3A_1828 = arith.addi %mul3A_1777, %add3A_1827 : i32
      %get3A_1829 = arith.index_cast %add3A_1828 : i32 to index
      %get3A_1830 = memref.load %arg1[%get3A_1829] : memref<2560xi32, #tpu.memory_space<smem>>
      %get3A_1831 = arith.index_cast %get3A_1830 : i32 to index
      %get3A_1832 = arith.constant 0 : index
      %get3A_1833 = vector.load %arg2[%get3A_1831, %get3A_1832] : memref<8100x512xf32, #tpu.memory_space<vmem>>, vector<1x512xf32>
      %concatenate3A_1834 = tpu.concatenate %get3A_1784, %get3A_1791, %get3A_1798, %get3A_1805, %get3A_1812, %get3A_1819, %get3A_1826, %get3A_1833 in 0 : vector<1x512xf32>, vector<1x512xf32>, vector<1x512xf32>, vector<1x512xf32>, vector<1x512xf32>, vector<1x512xf32>, vector<1x512xf32>, vector<1x512xf32> -> vector<8x512xf32>
      %swap3A_1835 = arith.index_cast %mul3A_1777 : i32 to index
      %swap3A_1836 = arith.constant 0 : index
      %swap3A_1837 = vector.load %arg3[%swap3A_1835, %swap3A_1836] : memref<2550x512xf32, #tpu.memory_space<vmem>>, vector<8x512xf32>
      tpu.vector_store %arg3[%swap3A_1835, %swap3A_1836], %concatenate3A_1834 {strides = array<i32>} : memref<2550x512xf32, #tpu.memory_space<vmem>>, vector<8x512xf32>,
      %scan3A_1838 = arith.constant 14 : i32
      %scan3A_1839 = arith.addi %scan3A_943, %scan3A_1838 : i32
      %mul3A_1840 = arith.constant 8 : i32
      %mul3A_1841 = arith.muli %scan3A_1839, %mul3A_1840 : i32
      %add3A_1842 = arith.constant 0 : i32
      %add3A_1843 = arith.addi %mul3A_1841, %add3A_1842 : i32
      %get3A_1844 = arith.index_cast %add3A_1843 : i32 to index
      %get3A_1845 = memref.load %arg1[%get3A_1844] : memref<2560xi32, #tpu.memory_space<smem>>
      %get3A_1846 = arith.index_cast %get3A_1845 : i32 to index
      %get3A_1847 = arith.constant 0 : index
      %get3A_1848 = vector.load %arg2[%get3A_1846, %get3A_1847] : memref<8100x512xf32, #tpu.memory_space<vmem>>, vector<1x512xf32>
      %add3A_1849 = arith.constant 1 : i32
      %add3A_1850 = arith.addi %mul3A_1841, %add3A_1849 : i32
      %get3A_1851 = arith.index_cast %add3A_1850 : i32 to index
      %get3A_1852 = memref.load %arg1[%get3A_1851] : memref<2560xi32, #tpu.memory_space<smem>>
      %get3A_1853 = arith.index_cast %get3A_1852 : i32 to index
      %get3A_1854 = arith.constant 0 : index
      %get3A_1855 = vector.load %arg2[%get3A_1853, %get3A_1854] : memref<8100x512xf32, #tpu.memory_space<vmem>>, vector<1x512xf32>
      %add3A_1856 = arith.constant 2 : i32
      %add3A_1857 = arith.addi %mul3A_1841, %add3A_1856 : i32
      %get3A_1858 = arith.index_cast %add3A_1857 : i32 to index
      %get3A_1859 = memref.load %arg1[%get3A_1858] : memref<2560xi32, #tpu.memory_space<smem>>
      %get3A_1860 = arith.index_cast %get3A_1859 : i32 to index
      %get3A_1861 = arith.constant 0 : index
      %get3A_1862 = vector.load %arg2[%get3A_1860, %get3A_1861] : memref<8100x512xf32, #tpu.memory_space<vmem>>, vector<1x512xf32>
      %add3A_1863 = arith.constant 3 : i32
      %add3A_1864 = arith.addi %mul3A_1841, %add3A_1863 : i32
      %get3A_1865 = arith.index_cast %add3A_1864 : i32 to index
      %get3A_1866 = memref.load %arg1[%get3A_1865] : memref<2560xi32, #tpu.memory_space<smem>>
      %get3A_1867 = arith.index_cast %get3A_1866 : i32 to index
      %get3A_1868 = arith.constant 0 : index
      %get3A_1869 = vector.load %arg2[%get3A_1867, %get3A_1868] : memref<8100x512xf32, #tpu.memory_space<vmem>>, vector<1x512xf32>
      %add3A_1870 = arith.constant 4 : i32
      %add3A_1871 = arith.addi %mul3A_1841, %add3A_1870 : i32
      %get3A_1872 = arith.index_cast %add3A_1871 : i32 to index
      %get3A_1873 = memref.load %arg1[%get3A_1872] : memref<2560xi32, #tpu.memory_space<smem>>
      %get3A_1874 = arith.index_cast %get3A_1873 : i32 to index
      %get3A_1875 = arith.constant 0 : index
      %get3A_1876 = vector.load %arg2[%get3A_1874, %get3A_1875] : memref<8100x512xf32, #tpu.memory_space<vmem>>, vector<1x512xf32>
      %add3A_1877 = arith.constant 5 : i32
      %add3A_1878 = arith.addi %mul3A_1841, %add3A_1877 : i32
      %get3A_1879 = arith.index_cast %add3A_1878 : i32 to index
      %get3A_1880 = memref.load %arg1[%get3A_1879] : memref<2560xi32, #tpu.memory_space<smem>>
      %get3A_1881 = arith.index_cast %get3A_1880 : i32 to index
      %get3A_1882 = arith.constant 0 : index
      %get3A_1883 = vector.load %arg2[%get3A_1881, %get3A_1882] : memref<8100x512xf32, #tpu.memory_space<vmem>>, vector<1x512xf32>
      %add3A_1884 = arith.constant 6 : i32
      %add3A_1885 = arith.addi %mul3A_1841, %add3A_1884 : i32
      %get3A_1886 = arith.index_cast %add3A_1885 : i32 to index
      %get3A_1887 = memref.load %arg1[%get3A_1886] : memref<2560xi32, #tpu.memory_space<smem>>
      %get3A_1888 = arith.index_cast %get3A_1887 : i32 to index
      %get3A_1889 = arith.constant 0 : index
      %get3A_1890 = vector.load %arg2[%get3A_1888, %get3A_1889] : memref<8100x512xf32, #tpu.memory_space<vmem>>, vector<1x512xf32>
      %add3A_1891 = arith.constant 7 : i32
      %add3A_1892 = arith.addi %mul3A_1841, %add3A_1891 : i32
      %get3A_1893 = arith.index_cast %add3A_1892 : i32 to index
      %get3A_1894 = memref.load %arg1[%get3A_1893] : memref<2560xi32, #tpu.memory_space<smem>>
      %get3A_1895 = arith.index_cast %get3A_1894 : i32 to index
      %get3A_1896 = arith.constant 0 : index
      %get3A_1897 = vector.load %arg2[%get3A_1895, %get3A_1896] : memref<8100x512xf32, #tpu.memory_space<vmem>>, vector<1x512xf32>
      %concatenate3A_1898 = tpu.concatenate %get3A_1848, %get3A_1855, %get3A_1862, %get3A_1869, %get3A_1876, %get3A_1883, %get3A_1890, %get3A_1897 in 0 : vector<1x512xf32>, vector<1x512xf32>, vector<1x512xf32>, vector<1x512xf32>, vector<1x512xf32>, vector<1x512xf32>, vector<1x512xf32>, vector<1x512xf32> -> vector<8x512xf32>
      %swap3A_1899 = arith.index_cast %mul3A_1841 : i32 to index
      %swap3A_1900 = arith.constant 0 : index
      %swap3A_1901 = vector.load %arg3[%swap3A_1899, %swap3A_1900] : memref<2550x512xf32, #tpu.memory_space<vmem>>, vector<8x512xf32>
      tpu.vector_store %arg3[%swap3A_1899, %swap3A_1900], %concatenate3A_1898 {strides = array<i32>} : memref<2550x512xf32, #tpu.memory_space<vmem>>, vector<8x512xf32>,
      %scan3A_1902 = arith.constant 15 : i32
      %scan3A_1903 = arith.addi %scan3A_943, %scan3A_1902 : i32
      %mul3A_1904 = arith.constant 8 : i32
      %mul3A_1905 = arith.muli %scan3A_1903, %mul3A_1904 : i32
      %add3A_1906 = arith.constant 0 : i32
      %add3A_1907 = arith.addi %mul3A_1905, %add3A_1906 : i32
      %get3A_1908 = arith.index_cast %add3A_1907 : i32 to index
      %get3A_1909 = memref.load %arg1[%get3A_1908] : memref<2560xi32, #tpu.memory_space<smem>>
      %get3A_1910 = arith.index_cast %get3A_1909 : i32 to index
      %get3A_1911 = arith.constant 0 : index
      %get3A_1912 = vector.load %arg2[%get3A_1910, %get3A_1911] : memref<8100x512xf32, #tpu.memory_space<vmem>>, vector<1x512xf32>
      %add3A_1913 = arith.constant 1 : i32
      %add3A_1914 = arith.addi %mul3A_1905, %add3A_1913 : i32
      %get3A_1915 = arith.index_cast %add3A_1914 : i32 to index
      %get3A_1916 = memref.load %arg1[%get3A_1915] : memref<2560xi32, #tpu.memory_space<smem>>
      %get3A_1917 = arith.index_cast %get3A_1916 : i32 to index
      %get3A_1918 = arith.constant 0 : index
      %get3A_1919 = vector.load %arg2[%get3A_1917, %get3A_1918] : memref<8100x512xf32, #tpu.memory_space<vmem>>, vector<1x512xf32>
      %add3A_1920 = arith.constant 2 : i32
      %add3A_1921 = arith.addi %mul3A_1905, %add3A_1920 : i32
      %get3A_1922 = arith.index_cast %add3A_1921 : i32 to index
      %get3A_1923 = memref.load %arg1[%get3A_1922] : memref<2560xi32, #tpu.memory_space<smem>>
      %get3A_1924 = arith.index_cast %get3A_1923 : i32 to index
      %get3A_1925 = arith.constant 0 : index
      %get3A_1926 = vector.load %arg2[%get3A_1924, %get3A_1925] : memref<8100x512xf32, #tpu.memory_space<vmem>>, vector<1x512xf32>
      %add3A_1927 = arith.constant 3 : i32
      %add3A_1928 = arith.addi %mul3A_1905, %add3A_1927 : i32
      %get3A_1929 = arith.index_cast %add3A_1928 : i32 to index
      %get3A_1930 = memref.load %arg1[%get3A_1929] : memref<2560xi32, #tpu.memory_space<smem>>
      %get3A_1931 = arith.index_cast %get3A_1930 : i32 to index
      %get3A_1932 = arith.constant 0 : index
      %get3A_1933 = vector.load %arg2[%get3A_1931, %get3A_1932] : memref<8100x512xf32, #tpu.memory_space<vmem>>, vector<1x512xf32>
      %add3A_1934 = arith.constant 4 : i32
      %add3A_1935 = arith.addi %mul3A_1905, %add3A_1934 : i32
      %get3A_1936 = arith.index_cast %add3A_1935 : i32 to index
      %get3A_1937 = memref.load %arg1[%get3A_1936] : memref<2560xi32, #tpu.memory_space<smem>>
      %get3A_1938 = arith.index_cast %get3A_1937 : i32 to index
      %get3A_1939 = arith.constant 0 : index
      %get3A_1940 = vector.load %arg2[%get3A_1938, %get3A_1939] : memref<8100x512xf32, #tpu.memory_space<vmem>>, vector<1x512xf32>
      %add3A_1941 = arith.constant 5 : i32
      %add3A_1942 = arith.addi %mul3A_1905, %add3A_1941 : i32
      %get3A_1943 = arith.index_cast %add3A_1942 : i32 to index
      %get3A_1944 = memref.load %arg1[%get3A_1943] : memref<2560xi32, #tpu.memory_space<smem>>
      %get3A_1945 = arith.index_cast %get3A_1944 : i32 to index
      %get3A_1946 = arith.constant 0 : index
      %get3A_1947 = vector.load %arg2[%get3A_1945, %get3A_1946] : memref<8100x512xf32, #tpu.memory_space<vmem>>, vector<1x512xf32>
      %add3A_1948 = arith.constant 6 : i32
      %add3A_1949 = arith.addi %mul3A_1905, %add3A_1948 : i32
      %get3A_1950 = arith.index_cast %add3A_1949 : i32 to index
      %get3A_1951 = memref.load %arg1[%get3A_1950] : memref<2560xi32, #tpu.memory_space<smem>>
      %get3A_1952 = arith.index_cast %get3A_1951 : i32 to index
      %get3A_1953 = arith.constant 0 : index
      %get3A_1954 = vector.load %arg2[%get3A_1952, %get3A_1953] : memref<8100x512xf32, #tpu.memory_space<vmem>>, vector<1x512xf32>
      %add3A_1955 = arith.constant 7 : i32
      %add3A_1956 = arith.addi %mul3A_1905, %add3A_1955 : i32
      %get3A_1957 = arith.index_cast %add3A_1956 : i32 to index
      %get3A_1958 = memref.load %arg1[%get3A_1957] : memref<2560xi32, #tpu.memory_space<smem>>
      %get3A_1959 = arith.index_cast %get3A_1958 : i32 to index
      %get3A_1960 = arith.constant 0 : index
      %get3A_1961 = vector.load %arg2[%get3A_1959, %get3A_1960] : memref<8100x512xf32, #tpu.memory_space<vmem>>, vector<1x512xf32>
      %concatenate3A_1962 = tpu.concatenate %get3A_1912, %get3A_1919, %get3A_1926, %get3A_1933, %get3A_1940, %get3A_1947, %get3A_1954, %get3A_1961 in 0 : vector<1x512xf32>, vector<1x512xf32>, vector<1x512xf32>, vector<1x512xf32>, vector<1x512xf32>, vector<1x512xf32>, vector<1x512xf32>, vector<1x512xf32> -> vector<8x512xf32>
      %swap3A_1963 = arith.index_cast %mul3A_1905 : i32 to index
      %swap3A_1964 = arith.constant 0 : index
      %swap3A_1965 = vector.load %arg3[%swap3A_1963, %swap3A_1964] : memref<2550x512xf32, #tpu.memory_space<vmem>>, vector<8x512xf32>
      tpu.vector_store %arg3[%swap3A_1963, %swap3A_1964], %concatenate3A_1962 {strides = array<i32>} : memref<2550x512xf32, #tpu.memory_space<vmem>>, vector<8x512xf32>,
    }
    %scan3A_3 = arith.constant 304 : i32
    %scan3A_4 = arith.addi %scan3A, %scan3A_3 : i32
    %mul3A = arith.constant 8 : i32
    %mul3A_5 = arith.muli %scan3A_4, %mul3A : i32
    %add3A = arith.constant 0 : i32
    %add3A_6 = arith.addi %mul3A_5, %add3A : i32
    %get3A = arith.index_cast %add3A_6 : i32 to index
    %get3A_7 = memref.load %arg1[%get3A] : memref<2560xi32, #tpu.memory_space<smem>>
    %get3A_8 = arith.index_cast %get3A_7 : i32 to index
    %get3A_9 = arith.constant 0 : index
    %get3A_10 = vector.load %arg2[%get3A_8, %get3A_9] : memref<8100x512xf32, #tpu.memory_space<vmem>>, vector<1x512xf32>
    %add3A_11 = arith.constant 1 : i32
    %add3A_12 = arith.addi %mul3A_5, %add3A_11 : i32
    %get3A_13 = arith.index_cast %add3A_12 : i32 to index
    %get3A_14 = memref.load %arg1[%get3A_13] : memref<2560xi32, #tpu.memory_space<smem>>
    %get3A_15 = arith.index_cast %get3A_14 : i32 to index
    %get3A_16 = arith.constant 0 : index
    %get3A_17 = vector.load %arg2[%get3A_15, %get3A_16] : memref<8100x512xf32, #tpu.memory_space<vmem>>, vector<1x512xf32>
    %add3A_18 = arith.constant 2 : i32
    %add3A_19 = arith.addi %mul3A_5, %add3A_18 : i32
    %get3A_20 = arith.index_cast %add3A_19 : i32 to index
    %get3A_21 = memref.load %arg1[%get3A_20] : memref<2560xi32, #tpu.memory_space<smem>>
    %get3A_22 = arith.index_cast %get3A_21 : i32 to index
    %get3A_23 = arith.constant 0 : index
    %get3A_24 = vector.load %arg2[%get3A_22, %get3A_23] : memref<8100x512xf32, #tpu.memory_space<vmem>>, vector<1x512xf32>
    %add3A_25 = arith.constant 3 : i32
    %add3A_26 = arith.addi %mul3A_5, %add3A_25 : i32
    %get3A_27 = arith.index_cast %add3A_26 : i32 to index
    %get3A_28 = memref.load %arg1[%get3A_27] : memref<2560xi32, #tpu.memory_space<smem>>
    %get3A_29 = arith.index_cast %get3A_28 : i32 to index
    %get3A_30 = arith.constant 0 : index
    %get3A_31 = vector.load %arg2[%get3A_29, %get3A_30] : memref<8100x512xf32, #tpu.memory_space<vmem>>, vector<1x512xf32>
    %add3A_32 = arith.constant 4 : i32
    %add3A_33 = arith.addi %mul3A_5, %add3A_32 : i32
    %get3A_34 = arith.index_cast %add3A_33 : i32 to index
    %get3A_35 = memref.load %arg1[%get3A_34] : memref<2560xi32, #tpu.memory_space<smem>>
    %get3A_36 = arith.index_cast %get3A_35 : i32 to index
    %get3A_37 = arith.constant 0 : index
    %get3A_38 = vector.load %arg2[%get3A_36, %get3A_37] : memref<8100x512xf32, #tpu.memory_space<vmem>>, vector<1x512xf32>
    %add3A_39 = arith.constant 5 : i32
    %add3A_40 = arith.addi %mul3A_5, %add3A_39 : i32
    %get3A_41 = arith.index_cast %add3A_40 : i32 to index
    %get3A_42 = memref.load %arg1[%get3A_41] : memref<2560xi32, #tpu.memory_space<smem>>
    %get3A_43 = arith.index_cast %get3A_42 : i32 to index
    %get3A_44 = arith.constant 0 : index
    %get3A_45 = vector.load %arg2[%get3A_43, %get3A_44] : memref<8100x512xf32, #tpu.memory_space<vmem>>, vector<1x512xf32>
    %add3A_46 = arith.constant 6 : i32
    %add3A_47 = arith.addi %mul3A_5, %add3A_46 : i32
    %get3A_48 = arith.index_cast %add3A_47 : i32 to index
    %get3A_49 = memref.load %arg1[%get3A_48] : memref<2560xi32, #tpu.memory_space<smem>>
    %get3A_50 = arith.index_cast %get3A_49 : i32 to index
    %get3A_51 = arith.constant 0 : index
    %get3A_52 = vector.load %arg2[%get3A_50, %get3A_51] : memref<8100x512xf32, #tpu.memory_space<vmem>>, vector<1x512xf32>
    %add3A_53 = arith.constant 7 : i32
    %add3A_54 = arith.addi %mul3A_5, %add3A_53 : i32
    %get3A_55 = arith.index_cast %add3A_54 : i32 to index
    %get3A_56 = memref.load %arg1[%get3A_55] : memref<2560xi32, #tpu.memory_space<smem>>
    %get3A_57 = arith.index_cast %get3A_56 : i32 to index
    %get3A_58 = arith.constant 0 : index
    %get3A_59 = vector.load %arg2[%get3A_57, %get3A_58] : memref<8100x512xf32, #tpu.memory_space<vmem>>, vector<1x512xf32>
    %concatenate3A = tpu.concatenate %get3A_10, %get3A_17, %get3A_24, %get3A_31, %get3A_38, %get3A_45, %get3A_52, %get3A_59 in 0 : vector<1x512xf32>, vector<1x512xf32>, vector<1x512xf32>, vector<1x512xf32>, vector<1x512xf32>, vector<1x512xf32>, vector<1x512xf32>, vector<1x512xf32> -> vector<8x512xf32>
    %swap3A = arith.index_cast %mul3A_5 : i32 to index
    %swap3A_60 = arith.constant 0 : index
    %swap3A_61 = vector.load %arg3[%swap3A, %swap3A_60] : memref<2550x512xf32, #tpu.memory_space<vmem>>, vector<8x512xf32>
    tpu.vector_store %arg3[%swap3A, %swap3A_60], %concatenate3A {strides = array<i32>} : memref<2550x512xf32, #tpu.memory_space<vmem>>, vector<8x512xf32>,
    %scan3A_62 = arith.constant 305 : i32
    %scan3A_63 = arith.addi %scan3A, %scan3A_62 : i32
    %mul3A_64 = arith.constant 8 : i32
    %mul3A_65 = arith.muli %scan3A_63, %mul3A_64 : i32
    %add3A_66 = arith.constant 0 : i32
    %add3A_67 = arith.addi %mul3A_65, %add3A_66 : i32
    %get3A_68 = arith.index_cast %add3A_67 : i32 to index
    %get3A_69 = memref.load %arg1[%get3A_68] : memref<2560xi32, #tpu.memory_space<smem>>
    %get3A_70 = arith.index_cast %get3A_69 : i32 to index
    %get3A_71 = arith.constant 0 : index
    %get3A_72 = vector.load %arg2[%get3A_70, %get3A_71] : memref<8100x512xf32, #tpu.memory_space<vmem>>, vector<1x512xf32>
    %add3A_73 = arith.constant 1 : i32
    %add3A_74 = arith.addi %mul3A_65, %add3A_73 : i32
    %get3A_75 = arith.index_cast %add3A_74 : i32 to index
    %get3A_76 = memref.load %arg1[%get3A_75] : memref<2560xi32, #tpu.memory_space<smem>>
    %get3A_77 = arith.index_cast %get3A_76 : i32 to index
    %get3A_78 = arith.constant 0 : index
    %get3A_79 = vector.load %arg2[%get3A_77, %get3A_78] : memref<8100x512xf32, #tpu.memory_space<vmem>>, vector<1x512xf32>
    %add3A_80 = arith.constant 2 : i32
    %add3A_81 = arith.addi %mul3A_65, %add3A_80 : i32
    %get3A_82 = arith.index_cast %add3A_81 : i32 to index
    %get3A_83 = memref.load %arg1[%get3A_82] : memref<2560xi32, #tpu.memory_space<smem>>
    %get3A_84 = arith.index_cast %get3A_83 : i32 to index
    %get3A_85 = arith.constant 0 : index
    %get3A_86 = vector.load %arg2[%get3A_84, %get3A_85] : memref<8100x512xf32, #tpu.memory_space<vmem>>, vector<1x512xf32>
    %add3A_87 = arith.constant 3 : i32
    %add3A_88 = arith.addi %mul3A_65, %add3A_87 : i32
    %get3A_89 = arith.index_cast %add3A_88 : i32 to index
    %get3A_90 = memref.load %arg1[%get3A_89] : memref<2560xi32, #tpu.memory_space<smem>>
    %get3A_91 = arith.index_cast %get3A_90 : i32 to index
    %get3A_92 = arith.constant 0 : index
    %get3A_93 = vector.load %arg2[%get3A_91, %get3A_92] : memref<8100x512xf32, #tpu.memory_space<vmem>>, vector<1x512xf32>
    %add3A_94 = arith.constant 4 : i32
    %add3A_95 = arith.addi %mul3A_65, %add3A_94 : i32
    %get3A_96 = arith.index_cast %add3A_95 : i32 to index
    %get3A_97 = memref.load %arg1[%get3A_96] : memref<2560xi32, #tpu.memory_space<smem>>
    %get3A_98 = arith.index_cast %get3A_97 : i32 to index
    %get3A_99 = arith.constant 0 : index
    %get3A_100 = vector.load %arg2[%get3A_98, %get3A_99] : memref<8100x512xf32, #tpu.memory_space<vmem>>, vector<1x512xf32>
    %add3A_101 = arith.constant 5 : i32
    %add3A_102 = arith.addi %mul3A_65, %add3A_101 : i32
    %get3A_103 = arith.index_cast %add3A_102 : i32 to index
    %get3A_104 = memref.load %arg1[%get3A_103] : memref<2560xi32, #tpu.memory_space<smem>>
    %get3A_105 = arith.index_cast %get3A_104 : i32 to index
    %get3A_106 = arith.constant 0 : index
    %get3A_107 = vector.load %arg2[%get3A_105, %get3A_106] : memref<8100x512xf32, #tpu.memory_space<vmem>>, vector<1x512xf32>
    %add3A_108 = arith.constant 6 : i32
    %add3A_109 = arith.addi %mul3A_65, %add3A_108 : i32
    %get3A_110 = arith.index_cast %add3A_109 : i32 to index
    %get3A_111 = memref.load %arg1[%get3A_110] : memref<2560xi32, #tpu.memory_space<smem>>
    %get3A_112 = arith.index_cast %get3A_111 : i32 to index
    %get3A_113 = arith.constant 0 : index
    %get3A_114 = vector.load %arg2[%get3A_112, %get3A_113] : memref<8100x512xf32, #tpu.memory_space<vmem>>, vector<1x512xf32>
    %add3A_115 = arith.constant 7 : i32
    %add3A_116 = arith.addi %mul3A_65, %add3A_115 : i32
    %get3A_117 = arith.index_cast %add3A_116 : i32 to index
    %get3A_118 = memref.load %arg1[%get3A_117] : memref<2560xi32, #tpu.memory_space<smem>>
    %get3A_119 = arith.index_cast %get3A_118 : i32 to index
    %get3A_120 = arith.constant 0 : index
    %get3A_121 = vector.load %arg2[%get3A_119, %get3A_120] : memref<8100x512xf32, #tpu.memory_space<vmem>>, vector<1x512xf32>
    %concatenate3A_122 = tpu.concatenate %get3A_72, %get3A_79, %get3A_86, %get3A_93, %get3A_100, %get3A_107, %get3A_114, %get3A_121 in 0 : vector<1x512xf32>, vector<1x512xf32>, vector<1x512xf32>, vector<1x512xf32>, vector<1x512xf32>, vector<1x512xf32>, vector<1x512xf32>, vector<1x512xf32> -> vector<8x512xf32>
    %swap3A_123 = arith.index_cast %mul3A_65 : i32 to index
    %swap3A_124 = arith.constant 0 : index
    %swap3A_125 = vector.load %arg3[%swap3A_123, %swap3A_124] : memref<2550x512xf32, #tpu.memory_space<vmem>>, vector<8x512xf32>
    tpu.vector_store %arg3[%swap3A_123, %swap3A_124], %concatenate3A_122 {strides = array<i32>} : memref<2550x512xf32, #tpu.memory_space<vmem>>, vector<8x512xf32>,
    %scan3A_126 = arith.constant 306 : i32
    %scan3A_127 = arith.addi %scan3A, %scan3A_126 : i32
    %mul3A_128 = arith.constant 8 : i32
    %mul3A_129 = arith.muli %scan3A_127, %mul3A_128 : i32
    %add3A_130 = arith.constant 0 : i32
    %add3A_131 = arith.addi %mul3A_129, %add3A_130 : i32
    %get3A_132 = arith.index_cast %add3A_131 : i32 to index
    %get3A_133 = memref.load %arg1[%get3A_132] : memref<2560xi32, #tpu.memory_space<smem>>
    %get3A_134 = arith.index_cast %get3A_133 : i32 to index
    %get3A_135 = arith.constant 0 : index
    %get3A_136 = vector.load %arg2[%get3A_134, %get3A_135] : memref<8100x512xf32, #tpu.memory_space<vmem>>, vector<1x512xf32>
    %add3A_137 = arith.constant 1 : i32
    %add3A_138 = arith.addi %mul3A_129, %add3A_137 : i32
    %get3A_139 = arith.index_cast %add3A_138 : i32 to index
    %get3A_140 = memref.load %arg1[%get3A_139] : memref<2560xi32, #tpu.memory_space<smem>>
    %get3A_141 = arith.index_cast %get3A_140 : i32 to index
    %get3A_142 = arith.constant 0 : index
    %get3A_143 = vector.load %arg2[%get3A_141, %get3A_142] : memref<8100x512xf32, #tpu.memory_space<vmem>>, vector<1x512xf32>
    %add3A_144 = arith.constant 2 : i32
    %add3A_145 = arith.addi %mul3A_129, %add3A_144 : i32
    %get3A_146 = arith.index_cast %add3A_145 : i32 to index
    %get3A_147 = memref.load %arg1[%get3A_146] : memref<2560xi32, #tpu.memory_space<smem>>
    %get3A_148 = arith.index_cast %get3A_147 : i32 to index
    %get3A_149 = arith.constant 0 : index
    %get3A_150 = vector.load %arg2[%get3A_148, %get3A_149] : memref<8100x512xf32, #tpu.memory_space<vmem>>, vector<1x512xf32>
    %add3A_151 = arith.constant 3 : i32
    %add3A_152 = arith.addi %mul3A_129, %add3A_151 : i32
    %get3A_153 = arith.index_cast %add3A_152 : i32 to index
    %get3A_154 = memref.load %arg1[%get3A_153] : memref<2560xi32, #tpu.memory_space<smem>>
    %get3A_155 = arith.index_cast %get3A_154 : i32 to index
    %get3A_156 = arith.constant 0 : index
    %get3A_157 = vector.load %arg2[%get3A_155, %get3A_156] : memref<8100x512xf32, #tpu.memory_space<vmem>>, vector<1x512xf32>
    %add3A_158 = arith.constant 4 : i32
    %add3A_159 = arith.addi %mul3A_129, %add3A_158 : i32
    %get3A_160 = arith.index_cast %add3A_159 : i32 to index
    %get3A_161 = memref.load %arg1[%get3A_160] : memref<2560xi32, #tpu.memory_space<smem>>
    %get3A_162 = arith.index_cast %get3A_161 : i32 to index
    %get3A_163 = arith.constant 0 : index
    %get3A_164 = vector.load %arg2[%get3A_162, %get3A_163] : memref<8100x512xf32, #tpu.memory_space<vmem>>, vector<1x512xf32>
    %add3A_165 = arith.constant 5 : i32
    %add3A_166 = arith.addi %mul3A_129, %add3A_165 : i32
    %get3A_167 = arith.index_cast %add3A_166 : i32 to index
    %get3A_168 = memref.load %arg1[%get3A_167] : memref<2560xi32, #tpu.memory_space<smem>>
    %get3A_169 = arith.index_cast %get3A_168 : i32 to index
    %get3A_170 = arith.constant 0 : index
    %get3A_171 = vector.load %arg2[%get3A_169, %get3A_170] : memref<8100x512xf32, #tpu.memory_space<vmem>>, vector<1x512xf32>
    %add3A_172 = arith.constant 6 : i32
    %add3A_173 = arith.addi %mul3A_129, %add3A_172 : i32
    %get3A_174 = arith.index_cast %add3A_173 : i32 to index
    %get3A_175 = memref.load %arg1[%get3A_174] : memref<2560xi32, #tpu.memory_space<smem>>
    %get3A_176 = arith.index_cast %get3A_175 : i32 to index
    %get3A_177 = arith.constant 0 : index
    %get3A_178 = vector.load %arg2[%get3A_176, %get3A_177] : memref<8100x512xf32, #tpu.memory_space<vmem>>, vector<1x512xf32>
    %add3A_179 = arith.constant 7 : i32
    %add3A_180 = arith.addi %mul3A_129, %add3A_179 : i32
    %get3A_181 = arith.index_cast %add3A_180 : i32 to index
    %get3A_182 = memref.load %arg1[%get3A_181] : memref<2560xi32, #tpu.memory_space<smem>>
    %get3A_183 = arith.index_cast %get3A_182 : i32 to index
    %get3A_184 = arith.constant 0 : index
    %get3A_185 = vector.load %arg2[%get3A_183, %get3A_184] : memref<8100x512xf32, #tpu.memory_space<vmem>>, vector<1x512xf32>
    %concatenate3A_186 = tpu.concatenate %get3A_136, %get3A_143, %get3A_150, %get3A_157, %get3A_164, %get3A_171, %get3A_178, %get3A_185 in 0 : vector<1x512xf32>, vector<1x512xf32>, vector<1x512xf32>, vector<1x512xf32>, vector<1x512xf32>, vector<1x512xf32>, vector<1x512xf32>, vector<1x512xf32> -> vector<8x512xf32>
    %swap3A_187 = arith.index_cast %mul3A_129 : i32 to index
    %swap3A_188 = arith.constant 0 : index
    %swap3A_189 = vector.load %arg3[%swap3A_187, %swap3A_188] : memref<2550x512xf32, #tpu.memory_space<vmem>>, vector<8x512xf32>
    tpu.vector_store %arg3[%swap3A_187, %swap3A_188], %concatenate3A_186 {strides = array<i32>} : memref<2550x512xf32, #tpu.memory_space<vmem>>, vector<8x512xf32>,
    %scan3A_190 = arith.constant 307 : i32
    %scan3A_191 = arith.addi %scan3A, %scan3A_190 : i32
    %mul3A_192 = arith.constant 8 : i32
    %mul3A_193 = arith.muli %scan3A_191, %mul3A_192 : i32
    %add3A_194 = arith.constant 0 : i32
    %add3A_195 = arith.addi %mul3A_193, %add3A_194 : i32
    %get3A_196 = arith.index_cast %add3A_195 : i32 to index
    %get3A_197 = memref.load %arg1[%get3A_196] : memref<2560xi32, #tpu.memory_space<smem>>
    %get3A_198 = arith.index_cast %get3A_197 : i32 to index
    %get3A_199 = arith.constant 0 : index
    %get3A_200 = vector.load %arg2[%get3A_198, %get3A_199] : memref<8100x512xf32, #tpu.memory_space<vmem>>, vector<1x512xf32>
    %add3A_201 = arith.constant 1 : i32
    %add3A_202 = arith.addi %mul3A_193, %add3A_201 : i32
    %get3A_203 = arith.index_cast %add3A_202 : i32 to index
    %get3A_204 = memref.load %arg1[%get3A_203] : memref<2560xi32, #tpu.memory_space<smem>>
    %get3A_205 = arith.index_cast %get3A_204 : i32 to index
    %get3A_206 = arith.constant 0 : index
    %get3A_207 = vector.load %arg2[%get3A_205, %get3A_206] : memref<8100x512xf32, #tpu.memory_space<vmem>>, vector<1x512xf32>
    %add3A_208 = arith.constant 2 : i32
    %add3A_209 = arith.addi %mul3A_193, %add3A_208 : i32
    %get3A_210 = arith.index_cast %add3A_209 : i32 to index
    %get3A_211 = memref.load %arg1[%get3A_210] : memref<2560xi32, #tpu.memory_space<smem>>
    %get3A_212 = arith.index_cast %get3A_211 : i32 to index
    %get3A_213 = arith.constant 0 : index
    %get3A_214 = vector.load %arg2[%get3A_212, %get3A_213] : memref<8100x512xf32, #tpu.memory_space<vmem>>, vector<1x512xf32>
    %add3A_215 = arith.constant 3 : i32
    %add3A_216 = arith.addi %mul3A_193, %add3A_215 : i32
    %get3A_217 = arith.index_cast %add3A_216 : i32 to index
    %get3A_218 = memref.load %arg1[%get3A_217] : memref<2560xi32, #tpu.memory_space<smem>>
    %get3A_219 = arith.index_cast %get3A_218 : i32 to index
    %get3A_220 = arith.constant 0 : index
    %get3A_221 = vector.load %arg2[%get3A_219, %get3A_220] : memref<8100x512xf32, #tpu.memory_space<vmem>>, vector<1x512xf32>
    %add3A_222 = arith.constant 4 : i32
    %add3A_223 = arith.addi %mul3A_193, %add3A_222 : i32
    %get3A_224 = arith.index_cast %add3A_223 : i32 to index
    %get3A_225 = memref.load %arg1[%get3A_224] : memref<2560xi32, #tpu.memory_space<smem>>
    %get3A_226 = arith.index_cast %get3A_225 : i32 to index
    %get3A_227 = arith.constant 0 : index
    %get3A_228 = vector.load %arg2[%get3A_226, %get3A_227] : memref<8100x512xf32, #tpu.memory_space<vmem>>, vector<1x512xf32>
    %add3A_229 = arith.constant 5 : i32
    %add3A_230 = arith.addi %mul3A_193, %add3A_229 : i32
    %get3A_231 = arith.index_cast %add3A_230 : i32 to index
    %get3A_232 = memref.load %arg1[%get3A_231] : memref<2560xi32, #tpu.memory_space<smem>>
    %get3A_233 = arith.index_cast %get3A_232 : i32 to index
    %get3A_234 = arith.constant 0 : index
    %get3A_235 = vector.load %arg2[%get3A_233, %get3A_234] : memref<8100x512xf32, #tpu.memory_space<vmem>>, vector<1x512xf32>
    %add3A_236 = arith.constant 6 : i32
    %add3A_237 = arith.addi %mul3A_193, %add3A_236 : i32
    %get3A_238 = arith.index_cast %add3A_237 : i32 to index
    %get3A_239 = memref.load %arg1[%get3A_238] : memref<2560xi32, #tpu.memory_space<smem>>
    %get3A_240 = arith.index_cast %get3A_239 : i32 to index
    %get3A_241 = arith.constant 0 : index
    %get3A_242 = vector.load %arg2[%get3A_240, %get3A_241] : memref<8100x512xf32, #tpu.memory_space<vmem>>, vector<1x512xf32>
    %add3A_243 = arith.constant 7 : i32
    %add3A_244 = arith.addi %mul3A_193, %add3A_243 : i32
    %get3A_245 = arith.index_cast %add3A_244 : i32 to index
    %get3A_246 = memref.load %arg1[%get3A_245] : memref<2560xi32, #tpu.memory_space<smem>>
    %get3A_247 = arith.index_cast %get3A_246 : i32 to index
    %get3A_248 = arith.constant 0 : index
    %get3A_249 = vector.load %arg2[%get3A_247, %get3A_248] : memref<8100x512xf32, #tpu.memory_space<vmem>>, vector<1x512xf32>
    %concatenate3A_250 = tpu.concatenate %get3A_200, %get3A_207, %get3A_214, %get3A_221, %get3A_228, %get3A_235, %get3A_242, %get3A_249 in 0 : vector<1x512xf32>, vector<1x512xf32>, vector<1x512xf32>, vector<1x512xf32>, vector<1x512xf32>, vector<1x512xf32>, vector<1x512xf32>, vector<1x512xf32> -> vector<8x512xf32>
    %swap3A_251 = arith.index_cast %mul3A_193 : i32 to index
    %swap3A_252 = arith.constant 0 : index
    %swap3A_253 = vector.load %arg3[%swap3A_251, %swap3A_252] : memref<2550x512xf32, #tpu.memory_space<vmem>>, vector<8x512xf32>
    tpu.vector_store %arg3[%swap3A_251, %swap3A_252], %concatenate3A_250 {strides = array<i32>} : memref<2550x512xf32, #tpu.memory_space<vmem>>, vector<8x512xf32>,
    %scan3A_254 = arith.constant 308 : i32
    %scan3A_255 = arith.addi %scan3A, %scan3A_254 : i32
    %mul3A_256 = arith.constant 8 : i32
    %mul3A_257 = arith.muli %scan3A_255, %mul3A_256 : i32
    %add3A_258 = arith.constant 0 : i32
    %add3A_259 = arith.addi %mul3A_257, %add3A_258 : i32
    %get3A_260 = arith.index_cast %add3A_259 : i32 to index
    %get3A_261 = memref.load %arg1[%get3A_260] : memref<2560xi32, #tpu.memory_space<smem>>
    %get3A_262 = arith.index_cast %get3A_261 : i32 to index
    %get3A_263 = arith.constant 0 : index
    %get3A_264 = vector.load %arg2[%get3A_262, %get3A_263] : memref<8100x512xf32, #tpu.memory_space<vmem>>, vector<1x512xf32>
    %add3A_265 = arith.constant 1 : i32
    %add3A_266 = arith.addi %mul3A_257, %add3A_265 : i32
    %get3A_267 = arith.index_cast %add3A_266 : i32 to index
    %get3A_268 = memref.load %arg1[%get3A_267] : memref<2560xi32, #tpu.memory_space<smem>>
    %get3A_269 = arith.index_cast %get3A_268 : i32 to index
    %get3A_270 = arith.constant 0 : index
    %get3A_271 = vector.load %arg2[%get3A_269, %get3A_270] : memref<8100x512xf32, #tpu.memory_space<vmem>>, vector<1x512xf32>
    %add3A_272 = arith.constant 2 : i32
    %add3A_273 = arith.addi %mul3A_257, %add3A_272 : i32
    %get3A_274 = arith.index_cast %add3A_273 : i32 to index
    %get3A_275 = memref.load %arg1[%get3A_274] : memref<2560xi32, #tpu.memory_space<smem>>
    %get3A_276 = arith.index_cast %get3A_275 : i32 to index
    %get3A_277 = arith.constant 0 : index
    %get3A_278 = vector.load %arg2[%get3A_276, %get3A_277] : memref<8100x512xf32, #tpu.memory_space<vmem>>, vector<1x512xf32>
    %add3A_279 = arith.constant 3 : i32
    %add3A_280 = arith.addi %mul3A_257, %add3A_279 : i32
    %get3A_281 = arith.index_cast %add3A_280 : i32 to index
    %get3A_282 = memref.load %arg1[%get3A_281] : memref<2560xi32, #tpu.memory_space<smem>>
    %get3A_283 = arith.index_cast %get3A_282 : i32 to index
    %get3A_284 = arith.constant 0 : index
    %get3A_285 = vector.load %arg2[%get3A_283, %get3A_284] : memref<8100x512xf32, #tpu.memory_space<vmem>>, vector<1x512xf32>
    %add3A_286 = arith.constant 4 : i32
    %add3A_287 = arith.addi %mul3A_257, %add3A_286 : i32
    %get3A_288 = arith.index_cast %add3A_287 : i32 to index
    %get3A_289 = memref.load %arg1[%get3A_288] : memref<2560xi32, #tpu.memory_space<smem>>
    %get3A_290 = arith.index_cast %get3A_289 : i32 to index
    %get3A_291 = arith.constant 0 : index
    %get3A_292 = vector.load %arg2[%get3A_290, %get3A_291] : memref<8100x512xf32, #tpu.memory_space<vmem>>, vector<1x512xf32>
    %add3A_293 = arith.constant 5 : i32
    %add3A_294 = arith.addi %mul3A_257, %add3A_293 : i32
    %get3A_295 = arith.index_cast %add3A_294 : i32 to index
    %get3A_296 = memref.load %arg1[%get3A_295] : memref<2560xi32, #tpu.memory_space<smem>>
    %get3A_297 = arith.index_cast %get3A_296 : i32 to index
    %get3A_298 = arith.constant 0 : index
    %get3A_299 = vector.load %arg2[%get3A_297, %get3A_298] : memref<8100x512xf32, #tpu.memory_space<vmem>>, vector<1x512xf32>
    %add3A_300 = arith.constant 6 : i32
    %add3A_301 = arith.addi %mul3A_257, %add3A_300 : i32
    %get3A_302 = arith.index_cast %add3A_301 : i32 to index
    %get3A_303 = memref.load %arg1[%get3A_302] : memref<2560xi32, #tpu.memory_space<smem>>
    %get3A_304 = arith.index_cast %get3A_303 : i32 to index
    %get3A_305 = arith.constant 0 : index
    %get3A_306 = vector.load %arg2[%get3A_304, %get3A_305] : memref<8100x512xf32, #tpu.memory_space<vmem>>, vector<1x512xf32>
    %add3A_307 = arith.constant 7 : i32
    %add3A_308 = arith.addi %mul3A_257, %add3A_307 : i32
    %get3A_309 = arith.index_cast %add3A_308 : i32 to index
    %get3A_310 = memref.load %arg1[%get3A_309] : memref<2560xi32, #tpu.memory_space<smem>>
    %get3A_311 = arith.index_cast %get3A_310 : i32 to index
    %get3A_312 = arith.constant 0 : index
    %get3A_313 = vector.load %arg2[%get3A_311, %get3A_312] : memref<8100x512xf32, #tpu.memory_space<vmem>>, vector<1x512xf32>
    %concatenate3A_314 = tpu.concatenate %get3A_264, %get3A_271, %get3A_278, %get3A_285, %get3A_292, %get3A_299, %get3A_306, %get3A_313 in 0 : vector<1x512xf32>, vector<1x512xf32>, vector<1x512xf32>, vector<1x512xf32>, vector<1x512xf32>, vector<1x512xf32>, vector<1x512xf32>, vector<1x512xf32> -> vector<8x512xf32>
    %swap3A_315 = arith.index_cast %mul3A_257 : i32 to index
    %swap3A_316 = arith.constant 0 : index
    %swap3A_317 = vector.load %arg3[%swap3A_315, %swap3A_316] : memref<2550x512xf32, #tpu.memory_space<vmem>>, vector<8x512xf32>
    tpu.vector_store %arg3[%swap3A_315, %swap3A_316], %concatenate3A_314 {strides = array<i32>} : memref<2550x512xf32, #tpu.memory_space<vmem>>, vector<8x512xf32>,
    %scan3A_318 = arith.constant 309 : i32
    %scan3A_319 = arith.addi %scan3A, %scan3A_318 : i32
    %mul3A_320 = arith.constant 8 : i32
    %mul3A_321 = arith.muli %scan3A_319, %mul3A_320 : i32
    %add3A_322 = arith.constant 0 : i32
    %add3A_323 = arith.addi %mul3A_321, %add3A_322 : i32
    %get3A_324 = arith.index_cast %add3A_323 : i32 to index
    %get3A_325 = memref.load %arg1[%get3A_324] : memref<2560xi32, #tpu.memory_space<smem>>
    %get3A_326 = arith.index_cast %get3A_325 : i32 to index
    %get3A_327 = arith.constant 0 : index
    %get3A_328 = vector.load %arg2[%get3A_326, %get3A_327] : memref<8100x512xf32, #tpu.memory_space<vmem>>, vector<1x512xf32>
    %add3A_329 = arith.constant 1 : i32
    %add3A_330 = arith.addi %mul3A_321, %add3A_329 : i32
    %get3A_331 = arith.index_cast %add3A_330 : i32 to index
    %get3A_332 = memref.load %arg1[%get3A_331] : memref<2560xi32, #tpu.memory_space<smem>>
    %get3A_333 = arith.index_cast %get3A_332 : i32 to index
    %get3A_334 = arith.constant 0 : index
    %get3A_335 = vector.load %arg2[%get3A_333, %get3A_334] : memref<8100x512xf32, #tpu.memory_space<vmem>>, vector<1x512xf32>
    %add3A_336 = arith.constant 2 : i32
    %add3A_337 = arith.addi %mul3A_321, %add3A_336 : i32
    %get3A_338 = arith.index_cast %add3A_337 : i32 to index
    %get3A_339 = memref.load %arg1[%get3A_338] : memref<2560xi32, #tpu.memory_space<smem>>
    %get3A_340 = arith.index_cast %get3A_339 : i32 to index
    %get3A_341 = arith.constant 0 : index
    %get3A_342 = vector.load %arg2[%get3A_340, %get3A_341] : memref<8100x512xf32, #tpu.memory_space<vmem>>, vector<1x512xf32>
    %add3A_343 = arith.constant 3 : i32
    %add3A_344 = arith.addi %mul3A_321, %add3A_343 : i32
    %get3A_345 = arith.index_cast %add3A_344 : i32 to index
    %get3A_346 = memref.load %arg1[%get3A_345] : memref<2560xi32, #tpu.memory_space<smem>>
    %get3A_347 = arith.index_cast %get3A_346 : i32 to index
    %get3A_348 = arith.constant 0 : index
    %get3A_349 = vector.load %arg2[%get3A_347, %get3A_348] : memref<8100x512xf32, #tpu.memory_space<vmem>>, vector<1x512xf32>
    %add3A_350 = arith.constant 4 : i32
    %add3A_351 = arith.addi %mul3A_321, %add3A_350 : i32
    %get3A_352 = arith.index_cast %add3A_351 : i32 to index
    %get3A_353 = memref.load %arg1[%get3A_352] : memref<2560xi32, #tpu.memory_space<smem>>
    %get3A_354 = arith.index_cast %get3A_353 : i32 to index
    %get3A_355 = arith.constant 0 : index
    %get3A_356 = vector.load %arg2[%get3A_354, %get3A_355] : memref<8100x512xf32, #tpu.memory_space<vmem>>, vector<1x512xf32>
    %add3A_357 = arith.constant 5 : i32
    %add3A_358 = arith.addi %mul3A_321, %add3A_357 : i32
    %get3A_359 = arith.index_cast %add3A_358 : i32 to index
    %get3A_360 = memref.load %arg1[%get3A_359] : memref<2560xi32, #tpu.memory_space<smem>>
    %get3A_361 = arith.index_cast %get3A_360 : i32 to index
    %get3A_362 = arith.constant 0 : index
    %get3A_363 = vector.load %arg2[%get3A_361, %get3A_362] : memref<8100x512xf32, #tpu.memory_space<vmem>>, vector<1x512xf32>
    %add3A_364 = arith.constant 6 : i32
    %add3A_365 = arith.addi %mul3A_321, %add3A_364 : i32
    %get3A_366 = arith.index_cast %add3A_365 : i32 to index
    %get3A_367 = memref.load %arg1[%get3A_366] : memref<2560xi32, #tpu.memory_space<smem>>
    %get3A_368 = arith.index_cast %get3A_367 : i32 to index
    %get3A_369 = arith.constant 0 : index
    %get3A_370 = vector.load %arg2[%get3A_368, %get3A_369] : memref<8100x512xf32, #tpu.memory_space<vmem>>, vector<1x512xf32>
    %add3A_371 = arith.constant 7 : i32
    %add3A_372 = arith.addi %mul3A_321, %add3A_371 : i32
    %get3A_373 = arith.index_cast %add3A_372 : i32 to index
    %get3A_374 = memref.load %arg1[%get3A_373] : memref<2560xi32, #tpu.memory_space<smem>>
    %get3A_375 = arith.index_cast %get3A_374 : i32 to index
    %get3A_376 = arith.constant 0 : index
    %get3A_377 = vector.load %arg2[%get3A_375, %get3A_376] : memref<8100x512xf32, #tpu.memory_space<vmem>>, vector<1x512xf32>
    %concatenate3A_378 = tpu.concatenate %get3A_328, %get3A_335, %get3A_342, %get3A_349, %get3A_356, %get3A_363, %get3A_370, %get3A_377 in 0 : vector<1x512xf32>, vector<1x512xf32>, vector<1x512xf32>, vector<1x512xf32>, vector<1x512xf32>, vector<1x512xf32>, vector<1x512xf32>, vector<1x512xf32> -> vector<8x512xf32>
    %swap3A_379 = arith.index_cast %mul3A_321 : i32 to index
    %swap3A_380 = arith.constant 0 : index
    %swap3A_381 = vector.load %arg3[%swap3A_379, %swap3A_380] : memref<2550x512xf32, #tpu.memory_space<vmem>>, vector<8x512xf32>
    tpu.vector_store %arg3[%swap3A_379, %swap3A_380], %concatenate3A_378 {strides = array<i32>} : memref<2550x512xf32, #tpu.memory_space<vmem>>, vector<8x512xf32>,
    %scan3A_382 = arith.constant 310 : i32
    %scan3A_383 = arith.addi %scan3A, %scan3A_382 : i32
    %mul3A_384 = arith.constant 8 : i32
    %mul3A_385 = arith.muli %scan3A_383, %mul3A_384 : i32
    %add3A_386 = arith.constant 0 : i32
    %add3A_387 = arith.addi %mul3A_385, %add3A_386 : i32
    %get3A_388 = arith.index_cast %add3A_387 : i32 to index
    %get3A_389 = memref.load %arg1[%get3A_388] : memref<2560xi32, #tpu.memory_space<smem>>
    %get3A_390 = arith.index_cast %get3A_389 : i32 to index
    %get3A_391 = arith.constant 0 : index
    %get3A_392 = vector.load %arg2[%get3A_390, %get3A_391] : memref<8100x512xf32, #tpu.memory_space<vmem>>, vector<1x512xf32>
    %add3A_393 = arith.constant 1 : i32
    %add3A_394 = arith.addi %mul3A_385, %add3A_393 : i32
    %get3A_395 = arith.index_cast %add3A_394 : i32 to index
    %get3A_396 = memref.load %arg1[%get3A_395] : memref<2560xi32, #tpu.memory_space<smem>>
    %get3A_397 = arith.index_cast %get3A_396 : i32 to index
    %get3A_398 = arith.constant 0 : index
    %get3A_399 = vector.load %arg2[%get3A_397, %get3A_398] : memref<8100x512xf32, #tpu.memory_space<vmem>>, vector<1x512xf32>
    %add3A_400 = arith.constant 2 : i32
    %add3A_401 = arith.addi %mul3A_385, %add3A_400 : i32
    %get3A_402 = arith.index_cast %add3A_401 : i32 to index
    %get3A_403 = memref.load %arg1[%get3A_402] : memref<2560xi32, #tpu.memory_space<smem>>
    %get3A_404 = arith.index_cast %get3A_403 : i32 to index
    %get3A_405 = arith.constant 0 : index
    %get3A_406 = vector.load %arg2[%get3A_404, %get3A_405] : memref<8100x512xf32, #tpu.memory_space<vmem>>, vector<1x512xf32>
    %add3A_407 = arith.constant 3 : i32
    %add3A_408 = arith.addi %mul3A_385, %add3A_407 : i32
    %get3A_409 = arith.index_cast %add3A_408 : i32 to index
    %get3A_410 = memref.load %arg1[%get3A_409] : memref<2560xi32, #tpu.memory_space<smem>>
    %get3A_411 = arith.index_cast %get3A_410 : i32 to index
    %get3A_412 = arith.constant 0 : index
    %get3A_413 = vector.load %arg2[%get3A_411, %get3A_412] : memref<8100x512xf32, #tpu.memory_space<vmem>>, vector<1x512xf32>
    %add3A_414 = arith.constant 4 : i32
    %add3A_415 = arith.addi %mul3A_385, %add3A_414 : i32
    %get3A_416 = arith.index_cast %add3A_415 : i32 to index
    %get3A_417 = memref.load %arg1[%get3A_416] : memref<2560xi32, #tpu.memory_space<smem>>
    %get3A_418 = arith.index_cast %get3A_417 : i32 to index
    %get3A_419 = arith.constant 0 : index
    %get3A_420 = vector.load %arg2[%get3A_418, %get3A_419] : memref<8100x512xf32, #tpu.memory_space<vmem>>, vector<1x512xf32>
    %add3A_421 = arith.constant 5 : i32
    %add3A_422 = arith.addi %mul3A_385, %add3A_421 : i32
    %get3A_423 = arith.index_cast %add3A_422 : i32 to index
    %get3A_424 = memref.load %arg1[%get3A_423] : memref<2560xi32, #tpu.memory_space<smem>>
    %get3A_425 = arith.index_cast %get3A_424 : i32 to index
    %get3A_426 = arith.constant 0 : index
    %get3A_427 = vector.load %arg2[%get3A_425, %get3A_426] : memref<8100x512xf32, #tpu.memory_space<vmem>>, vector<1x512xf32>
    %add3A_428 = arith.constant 6 : i32
    %add3A_429 = arith.addi %mul3A_385, %add3A_428 : i32
    %get3A_430 = arith.index_cast %add3A_429 : i32 to index
    %get3A_431 = memref.load %arg1[%get3A_430] : memref<2560xi32, #tpu.memory_space<smem>>
    %get3A_432 = arith.index_cast %get3A_431 : i32 to index
    %get3A_433 = arith.constant 0 : index
    %get3A_434 = vector.load %arg2[%get3A_432, %get3A_433] : memref<8100x512xf32, #tpu.memory_space<vmem>>, vector<1x512xf32>
    %add3A_435 = arith.constant 7 : i32
    %add3A_436 = arith.addi %mul3A_385, %add3A_435 : i32
    %get3A_437 = arith.index_cast %add3A_436 : i32 to index
    %get3A_438 = memref.load %arg1[%get3A_437] : memref<2560xi32, #tpu.memory_space<smem>>
    %get3A_439 = arith.index_cast %get3A_438 : i32 to index
    %get3A_440 = arith.constant 0 : index
    %get3A_441 = vector.load %arg2[%get3A_439, %get3A_440] : memref<8100x512xf32, #tpu.memory_space<vmem>>, vector<1x512xf32>
    %concatenate3A_442 = tpu.concatenate %get3A_392, %get3A_399, %get3A_406, %get3A_413, %get3A_420, %get3A_427, %get3A_434, %get3A_441 in 0 : vector<1x512xf32>, vector<1x512xf32>, vector<1x512xf32>, vector<1x512xf32>, vector<1x512xf32>, vector<1x512xf32>, vector<1x512xf32>, vector<1x512xf32> -> vector<8x512xf32>
    %swap3A_443 = arith.index_cast %mul3A_385 : i32 to index
    %swap3A_444 = arith.constant 0 : index
    %swap3A_445 = vector.load %arg3[%swap3A_443, %swap3A_444] : memref<2550x512xf32, #tpu.memory_space<vmem>>, vector<8x512xf32>
    tpu.vector_store %arg3[%swap3A_443, %swap3A_444], %concatenate3A_442 {strides = array<i32>} : memref<2550x512xf32, #tpu.memory_space<vmem>>, vector<8x512xf32>,
    %scan3A_446 = arith.constant 311 : i32
    %scan3A_447 = arith.addi %scan3A, %scan3A_446 : i32
    %mul3A_448 = arith.constant 8 : i32
    %mul3A_449 = arith.muli %scan3A_447, %mul3A_448 : i32
    %add3A_450 = arith.constant 0 : i32
    %add3A_451 = arith.addi %mul3A_449, %add3A_450 : i32
    %get3A_452 = arith.index_cast %add3A_451 : i32 to index
    %get3A_453 = memref.load %arg1[%get3A_452] : memref<2560xi32, #tpu.memory_space<smem>>
    %get3A_454 = arith.index_cast %get3A_453 : i32 to index
    %get3A_455 = arith.constant 0 : index
    %get3A_456 = vector.load %arg2[%get3A_454, %get3A_455] : memref<8100x512xf32, #tpu.memory_space<vmem>>, vector<1x512xf32>
    %add3A_457 = arith.constant 1 : i32
    %add3A_458 = arith.addi %mul3A_449, %add3A_457 : i32
    %get3A_459 = arith.index_cast %add3A_458 : i32 to index
    %get3A_460 = memref.load %arg1[%get3A_459] : memref<2560xi32, #tpu.memory_space<smem>>
    %get3A_461 = arith.index_cast %get3A_460 : i32 to index
    %get3A_462 = arith.constant 0 : index
    %get3A_463 = vector.load %arg2[%get3A_461, %get3A_462] : memref<8100x512xf32, #tpu.memory_space<vmem>>, vector<1x512xf32>
    %add3A_464 = arith.constant 2 : i32
    %add3A_465 = arith.addi %mul3A_449, %add3A_464 : i32
    %get3A_466 = arith.index_cast %add3A_465 : i32 to index
    %get3A_467 = memref.load %arg1[%get3A_466] : memref<2560xi32, #tpu.memory_space<smem>>
    %get3A_468 = arith.index_cast %get3A_467 : i32 to index
    %get3A_469 = arith.constant 0 : index
    %get3A_470 = vector.load %arg2[%get3A_468, %get3A_469] : memref<8100x512xf32, #tpu.memory_space<vmem>>, vector<1x512xf32>
    %add3A_471 = arith.constant 3 : i32
    %add3A_472 = arith.addi %mul3A_449, %add3A_471 : i32
    %get3A_473 = arith.index_cast %add3A_472 : i32 to index
    %get3A_474 = memref.load %arg1[%get3A_473] : memref<2560xi32, #tpu.memory_space<smem>>
    %get3A_475 = arith.index_cast %get3A_474 : i32 to index
    %get3A_476 = arith.constant 0 : index
    %get3A_477 = vector.load %arg2[%get3A_475, %get3A_476] : memref<8100x512xf32, #tpu.memory_space<vmem>>, vector<1x512xf32>
    %add3A_478 = arith.constant 4 : i32
    %add3A_479 = arith.addi %mul3A_449, %add3A_478 : i32
    %get3A_480 = arith.index_cast %add3A_479 : i32 to index
    %get3A_481 = memref.load %arg1[%get3A_480] : memref<2560xi32, #tpu.memory_space<smem>>
    %get3A_482 = arith.index_cast %get3A_481 : i32 to index
    %get3A_483 = arith.constant 0 : index
    %get3A_484 = vector.load %arg2[%get3A_482, %get3A_483] : memref<8100x512xf32, #tpu.memory_space<vmem>>, vector<1x512xf32>
    %add3A_485 = arith.constant 5 : i32
    %add3A_486 = arith.addi %mul3A_449, %add3A_485 : i32
    %get3A_487 = arith.index_cast %add3A_486 : i32 to index
    %get3A_488 = memref.load %arg1[%get3A_487] : memref<2560xi32, #tpu.memory_space<smem>>
    %get3A_489 = arith.index_cast %get3A_488 : i32 to index
    %get3A_490 = arith.constant 0 : index
    %get3A_491 = vector.load %arg2[%get3A_489, %get3A_490] : memref<8100x512xf32, #tpu.memory_space<vmem>>, vector<1x512xf32>
    %add3A_492 = arith.constant 6 : i32
    %add3A_493 = arith.addi %mul3A_449, %add3A_492 : i32
    %get3A_494 = arith.index_cast %add3A_493 : i32 to index
    %get3A_495 = memref.load %arg1[%get3A_494] : memref<2560xi32, #tpu.memory_space<smem>>
    %get3A_496 = arith.index_cast %get3A_495 : i32 to index
    %get3A_497 = arith.constant 0 : index
    %get3A_498 = vector.load %arg2[%get3A_496, %get3A_497] : memref<8100x512xf32, #tpu.memory_space<vmem>>, vector<1x512xf32>
    %add3A_499 = arith.constant 7 : i32
    %add3A_500 = arith.addi %mul3A_449, %add3A_499 : i32
    %get3A_501 = arith.index_cast %add3A_500 : i32 to index
    %get3A_502 = memref.load %arg1[%get3A_501] : memref<2560xi32, #tpu.memory_space<smem>>
    %get3A_503 = arith.index_cast %get3A_502 : i32 to index
    %get3A_504 = arith.constant 0 : index
    %get3A_505 = vector.load %arg2[%get3A_503, %get3A_504] : memref<8100x512xf32, #tpu.memory_space<vmem>>, vector<1x512xf32>
    %concatenate3A_506 = tpu.concatenate %get3A_456, %get3A_463, %get3A_470, %get3A_477, %get3A_484, %get3A_491, %get3A_498, %get3A_505 in 0 : vector<1x512xf32>, vector<1x512xf32>, vector<1x512xf32>, vector<1x512xf32>, vector<1x512xf32>, vector<1x512xf32>, vector<1x512xf32>, vector<1x512xf32> -> vector<8x512xf32>
    %swap3A_507 = arith.index_cast %mul3A_449 : i32 to index
    %swap3A_508 = arith.constant 0 : index
    %swap3A_509 = vector.load %arg3[%swap3A_507, %swap3A_508] : memref<2550x512xf32, #tpu.memory_space<vmem>>, vector<8x512xf32>
    tpu.vector_store %arg3[%swap3A_507, %swap3A_508], %concatenate3A_506 {strides = array<i32>} : memref<2550x512xf32, #tpu.memory_space<vmem>>, vector<8x512xf32>,
    %scan3A_510 = arith.constant 312 : i32
    %scan3A_511 = arith.addi %scan3A, %scan3A_510 : i32
    %mul3A_512 = arith.constant 8 : i32
    %mul3A_513 = arith.muli %scan3A_511, %mul3A_512 : i32
    %add3A_514 = arith.constant 0 : i32
    %add3A_515 = arith.addi %mul3A_513, %add3A_514 : i32
    %get3A_516 = arith.index_cast %add3A_515 : i32 to index
    %get3A_517 = memref.load %arg1[%get3A_516] : memref<2560xi32, #tpu.memory_space<smem>>
    %get3A_518 = arith.index_cast %get3A_517 : i32 to index
    %get3A_519 = arith.constant 0 : index
    %get3A_520 = vector.load %arg2[%get3A_518, %get3A_519] : memref<8100x512xf32, #tpu.memory_space<vmem>>, vector<1x512xf32>
    %add3A_521 = arith.constant 1 : i32
    %add3A_522 = arith.addi %mul3A_513, %add3A_521 : i32
    %get3A_523 = arith.index_cast %add3A_522 : i32 to index
    %get3A_524 = memref.load %arg1[%get3A_523] : memref<2560xi32, #tpu.memory_space<smem>>
    %get3A_525 = arith.index_cast %get3A_524 : i32 to index
    %get3A_526 = arith.constant 0 : index
    %get3A_527 = vector.load %arg2[%get3A_525, %get3A_526] : memref<8100x512xf32, #tpu.memory_space<vmem>>, vector<1x512xf32>
    %add3A_528 = arith.constant 2 : i32
    %add3A_529 = arith.addi %mul3A_513, %add3A_528 : i32
    %get3A_530 = arith.index_cast %add3A_529 : i32 to index
    %get3A_531 = memref.load %arg1[%get3A_530] : memref<2560xi32, #tpu.memory_space<smem>>
    %get3A_532 = arith.index_cast %get3A_531 : i32 to index
    %get3A_533 = arith.constant 0 : index
    %get3A_534 = vector.load %arg2[%get3A_532, %get3A_533] : memref<8100x512xf32, #tpu.memory_space<vmem>>, vector<1x512xf32>
    %add3A_535 = arith.constant 3 : i32
    %add3A_536 = arith.addi %mul3A_513, %add3A_535 : i32
    %get3A_537 = arith.index_cast %add3A_536 : i32 to index
    %get3A_538 = memref.load %arg1[%get3A_537] : memref<2560xi32, #tpu.memory_space<smem>>
    %get3A_539 = arith.index_cast %get3A_538 : i32 to index
    %get3A_540 = arith.constant 0 : index
    %get3A_541 = vector.load %arg2[%get3A_539, %get3A_540] : memref<8100x512xf32, #tpu.memory_space<vmem>>, vector<1x512xf32>
    %add3A_542 = arith.constant 4 : i32
    %add3A_543 = arith.addi %mul3A_513, %add3A_542 : i32
    %get3A_544 = arith.index_cast %add3A_543 : i32 to index
    %get3A_545 = memref.load %arg1[%get3A_544] : memref<2560xi32, #tpu.memory_space<smem>>
    %get3A_546 = arith.index_cast %get3A_545 : i32 to index
    %get3A_547 = arith.constant 0 : index
    %get3A_548 = vector.load %arg2[%get3A_546, %get3A_547] : memref<8100x512xf32, #tpu.memory_space<vmem>>, vector<1x512xf32>
    %add3A_549 = arith.constant 5 : i32
    %add3A_550 = arith.addi %mul3A_513, %add3A_549 : i32
    %get3A_551 = arith.index_cast %add3A_550 : i32 to index
    %get3A_552 = memref.load %arg1[%get3A_551] : memref<2560xi32, #tpu.memory_space<smem>>
    %get3A_553 = arith.index_cast %get3A_552 : i32 to index
    %get3A_554 = arith.constant 0 : index
    %get3A_555 = vector.load %arg2[%get3A_553, %get3A_554] : memref<8100x512xf32, #tpu.memory_space<vmem>>, vector<1x512xf32>
    %add3A_556 = arith.constant 6 : i32
    %add3A_557 = arith.addi %mul3A_513, %add3A_556 : i32
    %get3A_558 = arith.index_cast %add3A_557 : i32 to index
    %get3A_559 = memref.load %arg1[%get3A_558] : memref<2560xi32, #tpu.memory_space<smem>>
    %get3A_560 = arith.index_cast %get3A_559 : i32 to index
    %get3A_561 = arith.constant 0 : index
    %get3A_562 = vector.load %arg2[%get3A_560, %get3A_561] : memref<8100x512xf32, #tpu.memory_space<vmem>>, vector<1x512xf32>
    %add3A_563 = arith.constant 7 : i32
    %add3A_564 = arith.addi %mul3A_513, %add3A_563 : i32
    %get3A_565 = arith.index_cast %add3A_564 : i32 to index
    %get3A_566 = memref.load %arg1[%get3A_565] : memref<2560xi32, #tpu.memory_space<smem>>
    %get3A_567 = arith.index_cast %get3A_566 : i32 to index
    %get3A_568 = arith.constant 0 : index
    %get3A_569 = vector.load %arg2[%get3A_567, %get3A_568] : memref<8100x512xf32, #tpu.memory_space<vmem>>, vector<1x512xf32>
    %concatenate3A_570 = tpu.concatenate %get3A_520, %get3A_527, %get3A_534, %get3A_541, %get3A_548, %get3A_555, %get3A_562, %get3A_569 in 0 : vector<1x512xf32>, vector<1x512xf32>, vector<1x512xf32>, vector<1x512xf32>, vector<1x512xf32>, vector<1x512xf32>, vector<1x512xf32>, vector<1x512xf32> -> vector<8x512xf32>
    %swap3A_571 = arith.index_cast %mul3A_513 : i32 to index
    %swap3A_572 = arith.constant 0 : index
    %swap3A_573 = vector.load %arg3[%swap3A_571, %swap3A_572] : memref<2550x512xf32, #tpu.memory_space<vmem>>, vector<8x512xf32>
    tpu.vector_store %arg3[%swap3A_571, %swap3A_572], %concatenate3A_570 {strides = array<i32>} : memref<2550x512xf32, #tpu.memory_space<vmem>>, vector<8x512xf32>,
    %scan3A_574 = arith.constant 313 : i32
    %scan3A_575 = arith.addi %scan3A, %scan3A_574 : i32
    %mul3A_576 = arith.constant 8 : i32
    %mul3A_577 = arith.muli %scan3A_575, %mul3A_576 : i32
    %add3A_578 = arith.constant 0 : i32
    %add3A_579 = arith.addi %mul3A_577, %add3A_578 : i32
    %get3A_580 = arith.index_cast %add3A_579 : i32 to index
    %get3A_581 = memref.load %arg1[%get3A_580] : memref<2560xi32, #tpu.memory_space<smem>>
    %get3A_582 = arith.index_cast %get3A_581 : i32 to index
    %get3A_583 = arith.constant 0 : index
    %get3A_584 = vector.load %arg2[%get3A_582, %get3A_583] : memref<8100x512xf32, #tpu.memory_space<vmem>>, vector<1x512xf32>
    %add3A_585 = arith.constant 1 : i32
    %add3A_586 = arith.addi %mul3A_577, %add3A_585 : i32
    %get3A_587 = arith.index_cast %add3A_586 : i32 to index
    %get3A_588 = memref.load %arg1[%get3A_587] : memref<2560xi32, #tpu.memory_space<smem>>
    %get3A_589 = arith.index_cast %get3A_588 : i32 to index
    %get3A_590 = arith.constant 0 : index
    %get3A_591 = vector.load %arg2[%get3A_589, %get3A_590] : memref<8100x512xf32, #tpu.memory_space<vmem>>, vector<1x512xf32>
    %add3A_592 = arith.constant 2 : i32
    %add3A_593 = arith.addi %mul3A_577, %add3A_592 : i32
    %get3A_594 = arith.index_cast %add3A_593 : i32 to index
    %get3A_595 = memref.load %arg1[%get3A_594] : memref<2560xi32, #tpu.memory_space<smem>>
    %get3A_596 = arith.index_cast %get3A_595 : i32 to index
    %get3A_597 = arith.constant 0 : index
    %get3A_598 = vector.load %arg2[%get3A_596, %get3A_597] : memref<8100x512xf32, #tpu.memory_space<vmem>>, vector<1x512xf32>
    %add3A_599 = arith.constant 3 : i32
    %add3A_600 = arith.addi %mul3A_577, %add3A_599 : i32
    %get3A_601 = arith.index_cast %add3A_600 : i32 to index
    %get3A_602 = memref.load %arg1[%get3A_601] : memref<2560xi32, #tpu.memory_space<smem>>
    %get3A_603 = arith.index_cast %get3A_602 : i32 to index
    %get3A_604 = arith.constant 0 : index
    %get3A_605 = vector.load %arg2[%get3A_603, %get3A_604] : memref<8100x512xf32, #tpu.memory_space<vmem>>, vector<1x512xf32>
    %add3A_606 = arith.constant 4 : i32
    %add3A_607 = arith.addi %mul3A_577, %add3A_606 : i32
    %get3A_608 = arith.index_cast %add3A_607 : i32 to index
    %get3A_609 = memref.load %arg1[%get3A_608] : memref<2560xi32, #tpu.memory_space<smem>>
    %get3A_610 = arith.index_cast %get3A_609 : i32 to index
    %get3A_611 = arith.constant 0 : index
    %get3A_612 = vector.load %arg2[%get3A_610, %get3A_611] : memref<8100x512xf32, #tpu.memory_space<vmem>>, vector<1x512xf32>
    %add3A_613 = arith.constant 5 : i32
    %add3A_614 = arith.addi %mul3A_577, %add3A_613 : i32
    %get3A_615 = arith.index_cast %add3A_614 : i32 to index
    %get3A_616 = memref.load %arg1[%get3A_615] : memref<2560xi32, #tpu.memory_space<smem>>
    %get3A_617 = arith.index_cast %get3A_616 : i32 to index
    %get3A_618 = arith.constant 0 : index
    %get3A_619 = vector.load %arg2[%get3A_617, %get3A_618] : memref<8100x512xf32, #tpu.memory_space<vmem>>, vector<1x512xf32>
    %add3A_620 = arith.constant 6 : i32
    %add3A_621 = arith.addi %mul3A_577, %add3A_620 : i32
    %get3A_622 = arith.index_cast %add3A_621 : i32 to index
    %get3A_623 = memref.load %arg1[%get3A_622] : memref<2560xi32, #tpu.memory_space<smem>>
    %get3A_624 = arith.index_cast %get3A_623 : i32 to index
    %get3A_625 = arith.constant 0 : index
    %get3A_626 = vector.load %arg2[%get3A_624, %get3A_625] : memref<8100x512xf32, #tpu.memory_space<vmem>>, vector<1x512xf32>
    %add3A_627 = arith.constant 7 : i32
    %add3A_628 = arith.addi %mul3A_577, %add3A_627 : i32
    %get3A_629 = arith.index_cast %add3A_628 : i32 to index
    %get3A_630 = memref.load %arg1[%get3A_629] : memref<2560xi32, #tpu.memory_space<smem>>
    %get3A_631 = arith.index_cast %get3A_630 : i32 to index
    %get3A_632 = arith.constant 0 : index
    %get3A_633 = vector.load %arg2[%get3A_631, %get3A_632] : memref<8100x512xf32, #tpu.memory_space<vmem>>, vector<1x512xf32>
    %concatenate3A_634 = tpu.concatenate %get3A_584, %get3A_591, %get3A_598, %get3A_605, %get3A_612, %get3A_619, %get3A_626, %get3A_633 in 0 : vector<1x512xf32>, vector<1x512xf32>, vector<1x512xf32>, vector<1x512xf32>, vector<1x512xf32>, vector<1x512xf32>, vector<1x512xf32>, vector<1x512xf32> -> vector<8x512xf32>
    %swap3A_635 = arith.index_cast %mul3A_577 : i32 to index
    %swap3A_636 = arith.constant 0 : index
    %swap3A_637 = vector.load %arg3[%swap3A_635, %swap3A_636] : memref<2550x512xf32, #tpu.memory_space<vmem>>, vector<8x512xf32>
    tpu.vector_store %arg3[%swap3A_635, %swap3A_636], %concatenate3A_634 {strides = array<i32>} : memref<2550x512xf32, #tpu.memory_space<vmem>>, vector<8x512xf32>,
    %scan3A_638 = arith.constant 314 : i32
    %scan3A_639 = arith.addi %scan3A, %scan3A_638 : i32
    %mul3A_640 = arith.constant 8 : i32
    %mul3A_641 = arith.muli %scan3A_639, %mul3A_640 : i32
    %add3A_642 = arith.constant 0 : i32
    %add3A_643 = arith.addi %mul3A_641, %add3A_642 : i32
    %get3A_644 = arith.index_cast %add3A_643 : i32 to index
    %get3A_645 = memref.load %arg1[%get3A_644] : memref<2560xi32, #tpu.memory_space<smem>>
    %get3A_646 = arith.index_cast %get3A_645 : i32 to index
    %get3A_647 = arith.constant 0 : index
    %get3A_648 = vector.load %arg2[%get3A_646, %get3A_647] : memref<8100x512xf32, #tpu.memory_space<vmem>>, vector<1x512xf32>
    %add3A_649 = arith.constant 1 : i32
    %add3A_650 = arith.addi %mul3A_641, %add3A_649 : i32
    %get3A_651 = arith.index_cast %add3A_650 : i32 to index
    %get3A_652 = memref.load %arg1[%get3A_651] : memref<2560xi32, #tpu.memory_space<smem>>
    %get3A_653 = arith.index_cast %get3A_652 : i32 to index
    %get3A_654 = arith.constant 0 : index
    %get3A_655 = vector.load %arg2[%get3A_653, %get3A_654] : memref<8100x512xf32, #tpu.memory_space<vmem>>, vector<1x512xf32>
    %add3A_656 = arith.constant 2 : i32
    %add3A_657 = arith.addi %mul3A_641, %add3A_656 : i32
    %get3A_658 = arith.index_cast %add3A_657 : i32 to index
    %get3A_659 = memref.load %arg1[%get3A_658] : memref<2560xi32, #tpu.memory_space<smem>>
    %get3A_660 = arith.index_cast %get3A_659 : i32 to index
    %get3A_661 = arith.constant 0 : index
    %get3A_662 = vector.load %arg2[%get3A_660, %get3A_661] : memref<8100x512xf32, #tpu.memory_space<vmem>>, vector<1x512xf32>
    %add3A_663 = arith.constant 3 : i32
    %add3A_664 = arith.addi %mul3A_641, %add3A_663 : i32
    %get3A_665 = arith.index_cast %add3A_664 : i32 to index
    %get3A_666 = memref.load %arg1[%get3A_665] : memref<2560xi32, #tpu.memory_space<smem>>
    %get3A_667 = arith.index_cast %get3A_666 : i32 to index
    %get3A_668 = arith.constant 0 : index
    %get3A_669 = vector.load %arg2[%get3A_667, %get3A_668] : memref<8100x512xf32, #tpu.memory_space<vmem>>, vector<1x512xf32>
    %add3A_670 = arith.constant 4 : i32
    %add3A_671 = arith.addi %mul3A_641, %add3A_670 : i32
    %get3A_672 = arith.index_cast %add3A_671 : i32 to index
    %get3A_673 = memref.load %arg1[%get3A_672] : memref<2560xi32, #tpu.memory_space<smem>>
    %get3A_674 = arith.index_cast %get3A_673 : i32 to index
    %get3A_675 = arith.constant 0 : index
    %get3A_676 = vector.load %arg2[%get3A_674, %get3A_675] : memref<8100x512xf32, #tpu.memory_space<vmem>>, vector<1x512xf32>
    %add3A_677 = arith.constant 5 : i32
    %add3A_678 = arith.addi %mul3A_641, %add3A_677 : i32
    %get3A_679 = arith.index_cast %add3A_678 : i32 to index
    %get3A_680 = memref.load %arg1[%get3A_679] : memref<2560xi32, #tpu.memory_space<smem>>
    %get3A_681 = arith.index_cast %get3A_680 : i32 to index
    %get3A_682 = arith.constant 0 : index
    %get3A_683 = vector.load %arg2[%get3A_681, %get3A_682] : memref<8100x512xf32, #tpu.memory_space<vmem>>, vector<1x512xf32>
    %add3A_684 = arith.constant 6 : i32
    %add3A_685 = arith.addi %mul3A_641, %add3A_684 : i32
    %get3A_686 = arith.index_cast %add3A_685 : i32 to index
    %get3A_687 = memref.load %arg1[%get3A_686] : memref<2560xi32, #tpu.memory_space<smem>>
    %get3A_688 = arith.index_cast %get3A_687 : i32 to index
    %get3A_689 = arith.constant 0 : index
    %get3A_690 = vector.load %arg2[%get3A_688, %get3A_689] : memref<8100x512xf32, #tpu.memory_space<vmem>>, vector<1x512xf32>
    %add3A_691 = arith.constant 7 : i32
    %add3A_692 = arith.addi %mul3A_641, %add3A_691 : i32
    %get3A_693 = arith.index_cast %add3A_692 : i32 to index
    %get3A_694 = memref.load %arg1[%get3A_693] : memref<2560xi32, #tpu.memory_space<smem>>
    %get3A_695 = arith.index_cast %get3A_694 : i32 to index
    %get3A_696 = arith.constant 0 : index
    %get3A_697 = vector.load %arg2[%get3A_695, %get3A_696] : memref<8100x512xf32, #tpu.memory_space<vmem>>, vector<1x512xf32>
    %concatenate3A_698 = tpu.concatenate %get3A_648, %get3A_655, %get3A_662, %get3A_669, %get3A_676, %get3A_683, %get3A_690, %get3A_697 in 0 : vector<1x512xf32>, vector<1x512xf32>, vector<1x512xf32>, vector<1x512xf32>, vector<1x512xf32>, vector<1x512xf32>, vector<1x512xf32>, vector<1x512xf32> -> vector<8x512xf32>
    %swap3A_699 = arith.index_cast %mul3A_641 : i32 to index
    %swap3A_700 = arith.constant 0 : index
    %swap3A_701 = vector.load %arg3[%swap3A_699, %swap3A_700] : memref<2550x512xf32, #tpu.memory_space<vmem>>, vector<8x512xf32>
    tpu.vector_store %arg3[%swap3A_699, %swap3A_700], %concatenate3A_698 {strides = array<i32>} : memref<2550x512xf32, #tpu.memory_space<vmem>>, vector<8x512xf32>,
    %scan3A_702 = arith.constant 315 : i32
    %scan3A_703 = arith.addi %scan3A, %scan3A_702 : i32
    %mul3A_704 = arith.constant 8 : i32
    %mul3A_705 = arith.muli %scan3A_703, %mul3A_704 : i32
    %add3A_706 = arith.constant 0 : i32
    %add3A_707 = arith.addi %mul3A_705, %add3A_706 : i32
    %get3A_708 = arith.index_cast %add3A_707 : i32 to index
    %get3A_709 = memref.load %arg1[%get3A_708] : memref<2560xi32, #tpu.memory_space<smem>>
    %get3A_710 = arith.index_cast %get3A_709 : i32 to index
    %get3A_711 = arith.constant 0 : index
    %get3A_712 = vector.load %arg2[%get3A_710, %get3A_711] : memref<8100x512xf32, #tpu.memory_space<vmem>>, vector<1x512xf32>
    %add3A_713 = arith.constant 1 : i32
    %add3A_714 = arith.addi %mul3A_705, %add3A_713 : i32
    %get3A_715 = arith.index_cast %add3A_714 : i32 to index
    %get3A_716 = memref.load %arg1[%get3A_715] : memref<2560xi32, #tpu.memory_space<smem>>
    %get3A_717 = arith.index_cast %get3A_716 : i32 to index
    %get3A_718 = arith.constant 0 : index
    %get3A_719 = vector.load %arg2[%get3A_717, %get3A_718] : memref<8100x512xf32, #tpu.memory_space<vmem>>, vector<1x512xf32>
    %add3A_720 = arith.constant 2 : i32
    %add3A_721 = arith.addi %mul3A_705, %add3A_720 : i32
    %get3A_722 = arith.index_cast %add3A_721 : i32 to index
    %get3A_723 = memref.load %arg1[%get3A_722] : memref<2560xi32, #tpu.memory_space<smem>>
    %get3A_724 = arith.index_cast %get3A_723 : i32 to index
    %get3A_725 = arith.constant 0 : index
    %get3A_726 = vector.load %arg2[%get3A_724, %get3A_725] : memref<8100x512xf32, #tpu.memory_space<vmem>>, vector<1x512xf32>
    %add3A_727 = arith.constant 3 : i32
    %add3A_728 = arith.addi %mul3A_705, %add3A_727 : i32
    %get3A_729 = arith.index_cast %add3A_728 : i32 to index
    %get3A_730 = memref.load %arg1[%get3A_729] : memref<2560xi32, #tpu.memory_space<smem>>
    %get3A_731 = arith.index_cast %get3A_730 : i32 to index
    %get3A_732 = arith.constant 0 : index
    %get3A_733 = vector.load %arg2[%get3A_731, %get3A_732] : memref<8100x512xf32, #tpu.memory_space<vmem>>, vector<1x512xf32>
    %add3A_734 = arith.constant 4 : i32
    %add3A_735 = arith.addi %mul3A_705, %add3A_734 : i32
    %get3A_736 = arith.index_cast %add3A_735 : i32 to index
    %get3A_737 = memref.load %arg1[%get3A_736] : memref<2560xi32, #tpu.memory_space<smem>>
    %get3A_738 = arith.index_cast %get3A_737 : i32 to index
    %get3A_739 = arith.constant 0 : index
    %get3A_740 = vector.load %arg2[%get3A_738, %get3A_739] : memref<8100x512xf32, #tpu.memory_space<vmem>>, vector<1x512xf32>
    %add3A_741 = arith.constant 5 : i32
    %add3A_742 = arith.addi %mul3A_705, %add3A_741 : i32
    %get3A_743 = arith.index_cast %add3A_742 : i32 to index
    %get3A_744 = memref.load %arg1[%get3A_743] : memref<2560xi32, #tpu.memory_space<smem>>
    %get3A_745 = arith.index_cast %get3A_744 : i32 to index
    %get3A_746 = arith.constant 0 : index
    %get3A_747 = vector.load %arg2[%get3A_745, %get3A_746] : memref<8100x512xf32, #tpu.memory_space<vmem>>, vector<1x512xf32>
    %add3A_748 = arith.constant 6 : i32
    %add3A_749 = arith.addi %mul3A_705, %add3A_748 : i32
    %get3A_750 = arith.index_cast %add3A_749 : i32 to index
    %get3A_751 = memref.load %arg1[%get3A_750] : memref<2560xi32, #tpu.memory_space<smem>>
    %get3A_752 = arith.index_cast %get3A_751 : i32 to index
    %get3A_753 = arith.constant 0 : index
    %get3A_754 = vector.load %arg2[%get3A_752, %get3A_753] : memref<8100x512xf32, #tpu.memory_space<vmem>>, vector<1x512xf32>
    %add3A_755 = arith.constant 7 : i32
    %add3A_756 = arith.addi %mul3A_705, %add3A_755 : i32
    %get3A_757 = arith.index_cast %add3A_756 : i32 to index
    %get3A_758 = memref.load %arg1[%get3A_757] : memref<2560xi32, #tpu.memory_space<smem>>
    %get3A_759 = arith.index_cast %get3A_758 : i32 to index
    %get3A_760 = arith.constant 0 : index
    %get3A_761 = vector.load %arg2[%get3A_759, %get3A_760] : memref<8100x512xf32, #tpu.memory_space<vmem>>, vector<1x512xf32>
    %concatenate3A_762 = tpu.concatenate %get3A_712, %get3A_719, %get3A_726, %get3A_733, %get3A_740, %get3A_747, %get3A_754, %get3A_761 in 0 : vector<1x512xf32>, vector<1x512xf32>, vector<1x512xf32>, vector<1x512xf32>, vector<1x512xf32>, vector<1x512xf32>, vector<1x512xf32>, vector<1x512xf32> -> vector<8x512xf32>
    %swap3A_763 = arith.index_cast %mul3A_705 : i32 to index
    %swap3A_764 = arith.constant 0 : index
    %swap3A_765 = vector.load %arg3[%swap3A_763, %swap3A_764] : memref<2550x512xf32, #tpu.memory_space<vmem>>, vector<8x512xf32>
    tpu.vector_store %arg3[%swap3A_763, %swap3A_764], %concatenate3A_762 {strides = array<i32>} : memref<2550x512xf32, #tpu.memory_space<vmem>>, vector<8x512xf32>,
    %scan3A_766 = arith.constant 316 : i32
    %scan3A_767 = arith.addi %scan3A, %scan3A_766 : i32
    %mul3A_768 = arith.constant 8 : i32
    %mul3A_769 = arith.muli %scan3A_767, %mul3A_768 : i32
    %add3A_770 = arith.constant 0 : i32
    %add3A_771 = arith.addi %mul3A_769, %add3A_770 : i32
    %get3A_772 = arith.index_cast %add3A_771 : i32 to index
    %get3A_773 = memref.load %arg1[%get3A_772] : memref<2560xi32, #tpu.memory_space<smem>>
    %get3A_774 = arith.index_cast %get3A_773 : i32 to index
    %get3A_775 = arith.constant 0 : index
    %get3A_776 = vector.load %arg2[%get3A_774, %get3A_775] : memref<8100x512xf32, #tpu.memory_space<vmem>>, vector<1x512xf32>
    %add3A_777 = arith.constant 1 : i32
    %add3A_778 = arith.addi %mul3A_769, %add3A_777 : i32
    %get3A_779 = arith.index_cast %add3A_778 : i32 to index
    %get3A_780 = memref.load %arg1[%get3A_779] : memref<2560xi32, #tpu.memory_space<smem>>
    %get3A_781 = arith.index_cast %get3A_780 : i32 to index
    %get3A_782 = arith.constant 0 : index
    %get3A_783 = vector.load %arg2[%get3A_781, %get3A_782] : memref<8100x512xf32, #tpu.memory_space<vmem>>, vector<1x512xf32>
    %add3A_784 = arith.constant 2 : i32
    %add3A_785 = arith.addi %mul3A_769, %add3A_784 : i32
    %get3A_786 = arith.index_cast %add3A_785 : i32 to index
    %get3A_787 = memref.load %arg1[%get3A_786] : memref<2560xi32, #tpu.memory_space<smem>>
    %get3A_788 = arith.index_cast %get3A_787 : i32 to index
    %get3A_789 = arith.constant 0 : index
    %get3A_790 = vector.load %arg2[%get3A_788, %get3A_789] : memref<8100x512xf32, #tpu.memory_space<vmem>>, vector<1x512xf32>
    %add3A_791 = arith.constant 3 : i32
    %add3A_792 = arith.addi %mul3A_769, %add3A_791 : i32
    %get3A_793 = arith.index_cast %add3A_792 : i32 to index
    %get3A_794 = memref.load %arg1[%get3A_793] : memref<2560xi32, #tpu.memory_space<smem>>
    %get3A_795 = arith.index_cast %get3A_794 : i32 to index
    %get3A_796 = arith.constant 0 : index
    %get3A_797 = vector.load %arg2[%get3A_795, %get3A_796] : memref<8100x512xf32, #tpu.memory_space<vmem>>, vector<1x512xf32>
    %add3A_798 = arith.constant 4 : i32
    %add3A_799 = arith.addi %mul3A_769, %add3A_798 : i32
    %get3A_800 = arith.index_cast %add3A_799 : i32 to index
    %get3A_801 = memref.load %arg1[%get3A_800] : memref<2560xi32, #tpu.memory_space<smem>>
    %get3A_802 = arith.index_cast %get3A_801 : i32 to index
    %get3A_803 = arith.constant 0 : index
    %get3A_804 = vector.load %arg2[%get3A_802, %get3A_803] : memref<8100x512xf32, #tpu.memory_space<vmem>>, vector<1x512xf32>
    %add3A_805 = arith.constant 5 : i32
    %add3A_806 = arith.addi %mul3A_769, %add3A_805 : i32
    %get3A_807 = arith.index_cast %add3A_806 : i32 to index
    %get3A_808 = memref.load %arg1[%get3A_807] : memref<2560xi32, #tpu.memory_space<smem>>
    %get3A_809 = arith.index_cast %get3A_808 : i32 to index
    %get3A_810 = arith.constant 0 : index
    %get3A_811 = vector.load %arg2[%get3A_809, %get3A_810] : memref<8100x512xf32, #tpu.memory_space<vmem>>, vector<1x512xf32>
    %add3A_812 = arith.constant 6 : i32
    %add3A_813 = arith.addi %mul3A_769, %add3A_812 : i32
    %get3A_814 = arith.index_cast %add3A_813 : i32 to index
    %get3A_815 = memref.load %arg1[%get3A_814] : memref<2560xi32, #tpu.memory_space<smem>>
    %get3A_816 = arith.index_cast %get3A_815 : i32 to index
    %get3A_817 = arith.constant 0 : index
    %get3A_818 = vector.load %arg2[%get3A_816, %get3A_817] : memref<8100x512xf32, #tpu.memory_space<vmem>>, vector<1x512xf32>
    %add3A_819 = arith.constant 7 : i32
    %add3A_820 = arith.addi %mul3A_769, %add3A_819 : i32
    %get3A_821 = arith.index_cast %add3A_820 : i32 to index
    %get3A_822 = memref.load %arg1[%get3A_821] : memref<2560xi32, #tpu.memory_space<smem>>
    %get3A_823 = arith.index_cast %get3A_822 : i32 to index
    %get3A_824 = arith.constant 0 : index
    %get3A_825 = vector.load %arg2[%get3A_823, %get3A_824] : memref<8100x512xf32, #tpu.memory_space<vmem>>, vector<1x512xf32>
    %concatenate3A_826 = tpu.concatenate %get3A_776, %get3A_783, %get3A_790, %get3A_797, %get3A_804, %get3A_811, %get3A_818, %get3A_825 in 0 : vector<1x512xf32>, vector<1x512xf32>, vector<1x512xf32>, vector<1x512xf32>, vector<1x512xf32>, vector<1x512xf32>, vector<1x512xf32>, vector<1x512xf32> -> vector<8x512xf32>
    %swap3A_827 = arith.index_cast %mul3A_769 : i32 to index
    %swap3A_828 = arith.constant 0 : index
    %swap3A_829 = vector.load %arg3[%swap3A_827, %swap3A_828] : memref<2550x512xf32, #tpu.memory_space<vmem>>, vector<8x512xf32>
    tpu.vector_store %arg3[%swap3A_827, %swap3A_828], %concatenate3A_826 {strides = array<i32>} : memref<2550x512xf32, #tpu.memory_space<vmem>>, vector<8x512xf32>,
    %scan3A_830 = arith.constant 317 : i32
    %scan3A_831 = arith.addi %scan3A, %scan3A_830 : i32
    %mul3A_832 = arith.constant 8 : i32
    %mul3A_833 = arith.muli %scan3A_831, %mul3A_832 : i32
    %add3A_834 = arith.constant 0 : i32
    %add3A_835 = arith.addi %mul3A_833, %add3A_834 : i32
    %get3A_836 = arith.index_cast %add3A_835 : i32 to index
    %get3A_837 = memref.load %arg1[%get3A_836] : memref<2560xi32, #tpu.memory_space<smem>>
    %get3A_838 = arith.index_cast %get3A_837 : i32 to index
    %get3A_839 = arith.constant 0 : index
    %get3A_840 = vector.load %arg2[%get3A_838, %get3A_839] : memref<8100x512xf32, #tpu.memory_space<vmem>>, vector<1x512xf32>
    %add3A_841 = arith.constant 1 : i32
    %add3A_842 = arith.addi %mul3A_833, %add3A_841 : i32
    %get3A_843 = arith.index_cast %add3A_842 : i32 to index
    %get3A_844 = memref.load %arg1[%get3A_843] : memref<2560xi32, #tpu.memory_space<smem>>
    %get3A_845 = arith.index_cast %get3A_844 : i32 to index
    %get3A_846 = arith.constant 0 : index
    %get3A_847 = vector.load %arg2[%get3A_845, %get3A_846] : memref<8100x512xf32, #tpu.memory_space<vmem>>, vector<1x512xf32>
    %add3A_848 = arith.constant 2 : i32
    %add3A_849 = arith.addi %mul3A_833, %add3A_848 : i32
    %get3A_850 = arith.index_cast %add3A_849 : i32 to index
    %get3A_851 = memref.load %arg1[%get3A_850] : memref<2560xi32, #tpu.memory_space<smem>>
    %get3A_852 = arith.index_cast %get3A_851 : i32 to index
    %get3A_853 = arith.constant 0 : index
    %get3A_854 = vector.load %arg2[%get3A_852, %get3A_853] : memref<8100x512xf32, #tpu.memory_space<vmem>>, vector<1x512xf32>
    %add3A_855 = arith.constant 3 : i32
    %add3A_856 = arith.addi %mul3A_833, %add3A_855 : i32
    %get3A_857 = arith.index_cast %add3A_856 : i32 to index
    %get3A_858 = memref.load %arg1[%get3A_857] : memref<2560xi32, #tpu.memory_space<smem>>
    %get3A_859 = arith.index_cast %get3A_858 : i32 to index
    %get3A_860 = arith.constant 0 : index
    %get3A_861 = vector.load %arg2[%get3A_859, %get3A_860] : memref<8100x512xf32, #tpu.memory_space<vmem>>, vector<1x512xf32>
    %add3A_862 = arith.constant 4 : i32
    %add3A_863 = arith.addi %mul3A_833, %add3A_862 : i32
    %get3A_864 = arith.index_cast %add3A_863 : i32 to index
    %get3A_865 = memref.load %arg1[%get3A_864] : memref<2560xi32, #tpu.memory_space<smem>>
    %get3A_866 = arith.index_cast %get3A_865 : i32 to index
    %get3A_867 = arith.constant 0 : index
    %get3A_868 = vector.load %arg2[%get3A_866, %get3A_867] : memref<8100x512xf32, #tpu.memory_space<vmem>>, vector<1x512xf32>
    %add3A_869 = arith.constant 5 : i32
    %add3A_870 = arith.addi %mul3A_833, %add3A_869 : i32
    %get3A_871 = arith.index_cast %add3A_870 : i32 to index
    %get3A_872 = memref.load %arg1[%get3A_871] : memref<2560xi32, #tpu.memory_space<smem>>
    %get3A_873 = arith.index_cast %get3A_872 : i32 to index
    %get3A_874 = arith.constant 0 : index
    %get3A_875 = vector.load %arg2[%get3A_873, %get3A_874] : memref<8100x512xf32, #tpu.memory_space<vmem>>, vector<1x512xf32>
    %add3A_876 = arith.constant 6 : i32
    %add3A_877 = arith.addi %mul3A_833, %add3A_876 : i32
    %get3A_878 = arith.index_cast %add3A_877 : i32 to index
    %get3A_879 = memref.load %arg1[%get3A_878] : memref<2560xi32, #tpu.memory_space<smem>>
    %get3A_880 = arith.index_cast %get3A_879 : i32 to index
    %get3A_881 = arith.constant 0 : index
    %get3A_882 = vector.load %arg2[%get3A_880, %get3A_881] : memref<8100x512xf32, #tpu.memory_space<vmem>>, vector<1x512xf32>
    %add3A_883 = arith.constant 7 : i32
    %add3A_884 = arith.addi %mul3A_833, %add3A_883 : i32
    %get3A_885 = arith.index_cast %add3A_884 : i32 to index
    %get3A_886 = memref.load %arg1[%get3A_885] : memref<2560xi32, #tpu.memory_space<smem>>
    %get3A_887 = arith.index_cast %get3A_886 : i32 to index
    %get3A_888 = arith.constant 0 : index
    %get3A_889 = vector.load %arg2[%get3A_887, %get3A_888] : memref<8100x512xf32, #tpu.memory_space<vmem>>, vector<1x512xf32>
    %concatenate3A_890 = tpu.concatenate %get3A_840, %get3A_847, %get3A_854, %get3A_861, %get3A_868, %get3A_875, %get3A_882, %get3A_889 in 0 : vector<1x512xf32>, vector<1x512xf32>, vector<1x512xf32>, vector<1x512xf32>, vector<1x512xf32>, vector<1x512xf32>, vector<1x512xf32>, vector<1x512xf32> -> vector<8x512xf32>
    %swap3A_891 = arith.index_cast %mul3A_833 : i32 to index
    %swap3A_892 = arith.constant 0 : index
    %swap3A_893 = vector.load %arg3[%swap3A_891, %swap3A_892] : memref<2550x512xf32, #tpu.memory_space<vmem>>, vector<8x512xf32>
    tpu.vector_store %arg3[%swap3A_891, %swap3A_892], %concatenate3A_890 {strides = array<i32>} : memref<2550x512xf32, #tpu.memory_space<vmem>>, vector<8x512xf32>,
    %scan3A_894 = arith.constant 318 : i32
    %get3A_895 = arith.constant 2544 : index
    %get3A_896 = memref.load %arg1[%get3A_895] : memref<2560xi32, #tpu.memory_space<smem>>
    %get3A_897 = arith.index_cast %get3A_896 : i32 to index
    %get3A_898 = arith.constant 0 : index
    %get3A_899 = vector.load %arg2[%get3A_897, %get3A_898] : memref<8100x512xf32, #tpu.memory_space<vmem>>, vector<1x512xf32>
    %swap3A_900 = arith.constant 2544 : index
    %swap3A_901 = arith.constant 0 : index
    %swap3A_902 = vector.load %arg3[%swap3A_900, %swap3A_901] : memref<2550x512xf32, #tpu.memory_space<vmem>>, vector<1x512xf32>
    tpu.vector_store %arg3[%swap3A_900, %swap3A_901], %get3A_899 {strides = array<i32>} : memref<2550x512xf32, #tpu.memory_space<vmem>>, vector<1x512xf32>,
    %get3A_903 = arith.constant 2545 : index
    %get3A_904 = memref.load %arg1[%get3A_903] : memref<2560xi32, #tpu.memory_space<smem>>
    %get3A_905 = arith.index_cast %get3A_904 : i32 to index
    %get3A_906 = arith.constant 0 : index
    %get3A_907 = vector.load %arg2[%get3A_905, %get3A_906] : memref<8100x512xf32, #tpu.memory_space<vmem>>, vector<1x512xf32>
    %swap3A_908 = arith.constant 2545 : index
    %swap3A_909 = arith.constant 0 : index
    %swap3A_910 = vector.load %arg3[%swap3A_908, %swap3A_909] : memref<2550x512xf32, #tpu.memory_space<vmem>>, vector<1x512xf32>
    tpu.vector_store %arg3[%swap3A_908, %swap3A_909], %get3A_907 {strides = array<i32>} : memref<2550x512xf32, #tpu.memory_space<vmem>>, vector<1x512xf32>,
    %get3A_911 = arith.constant 2546 : index
    %get3A_912 = memref.load %arg1[%get3A_911] : memref<2560xi32, #tpu.memory_space<smem>>
    %get3A_913 = arith.index_cast %get3A_912 : i32 to index
    %get3A_914 = arith.constant 0 : index
    %get3A_915 = vector.load %arg2[%get3A_913, %get3A_914] : memref<8100x512xf32, #tpu.memory_space<vmem>>, vector<1x512xf32>
    %swap3A_916 = arith.constant 2546 : index
    %swap3A_917 = arith.constant 0 : index
    %swap3A_918 = vector.load %arg3[%swap3A_916, %swap3A_917] : memref<2550x512xf32, #tpu.memory_space<vmem>>, vector<1x512xf32>
    tpu.vector_store %arg3[%swap3A_916, %swap3A_917], %get3A_915 {strides = array<i32>} : memref<2550x512xf32, #tpu.memory_space<vmem>>, vector<1x512xf32>,
    %get3A_919 = arith.constant 2547 : index
    %get3A_920 = memref.load %arg1[%get3A_919] : memref<2560xi32, #tpu.memory_space<smem>>
    %get3A_921 = arith.index_cast %get3A_920 : i32 to index
    %get3A_922 = arith.constant 0 : index
    %get3A_923 = vector.load %arg2[%get3A_921, %get3A_922] : memref<8100x512xf32, #tpu.memory_space<vmem>>, vector<1x512xf32>
    %swap3A_924 = arith.constant 2547 : index
    %swap3A_925 = arith.constant 0 : index
    %swap3A_926 = vector.load %arg3[%swap3A_924, %swap3A_925] : memref<2550x512xf32, #tpu.memory_space<vmem>>, vector<1x512xf32>
    tpu.vector_store %arg3[%swap3A_924, %swap3A_925], %get3A_923 {strides = array<i32>} : memref<2550x512xf32, #tpu.memory_space<vmem>>, vector<1x512xf32>,
    %get3A_927 = arith.constant 2548 : index
    %get3A_928 = memref.load %arg1[%get3A_927] : memref<2560xi32, #tpu.memory_space<smem>>
    %get3A_929 = arith.index_cast %get3A_928 : i32 to index
    %get3A_930 = arith.constant 0 : index
    %get3A_931 = vector.load %arg2[%get3A_929, %get3A_930] : memref<8100x512xf32, #tpu.memory_space<vmem>>, vector<1x512xf32>
    %swap3A_932 = arith.constant 2548 : index
    %swap3A_933 = arith.constant 0 : index
    %swap3A_934 = vector.load %arg3[%swap3A_932, %swap3A_933] : memref<2550x512xf32, #tpu.memory_space<vmem>>, vector<1x512xf32>
    tpu.vector_store %arg3[%swap3A_932, %swap3A_933], %get3A_931 {strides = array<i32>} : memref<2550x512xf32, #tpu.memory_space<vmem>>, vector<1x512xf32>,
    %get3A_935 = arith.constant 2549 : index
    %get3A_936 = memref.load %arg1[%get3A_935] : memref<2560xi32, #tpu.memory_space<smem>>
    %get3A_937 = arith.index_cast %get3A_936 : i32 to index
    %get3A_938 = arith.constant 0 : index
    %get3A_939 = vector.load %arg2[%get3A_937, %get3A_938] : memref<8100x512xf32, #tpu.memory_space<vmem>>, vector<1x512xf32>
    %swap3A_940 = arith.constant 2549 : index
    %swap3A_941 = arith.constant 0 : index
    %swap3A_942 = vector.load %arg3[%swap3A_940, %swap3A_941] : memref<2550x512xf32, #tpu.memory_space<vmem>>, vector<1x512xf32>
    tpu.vector_store %arg3[%swap3A_940, %swap3A_941], %get3A_939 {strides = array<i32>} : memref<2550x512xf32, #tpu.memory_space<vmem>>, vector<1x512xf32>,
    return
  }
  func.func @transform_0(%arg0: i32, %arg1: memref<2560xi32, #tpu.memory_space<smem>>) -> (i32, i32) {
    %c0_i32 = arith.constant 0 : i32
    %c0_i32_0 = arith.constant 0 : i32
    return %c0_i32, %arg0 : i32, i32
  }
  func.func @transform_1(%arg0: i32, %arg1: memref<2560xi32, #tpu.memory_space<smem>>) -> (i32, i32) {
    %c0_i32 = arith.constant 0 : i32
    %c0_i32_0 = arith.constant 0 : i32
    return %c0_i32, %arg0 : i32, i32
  }
}

</mosaic_0001>

<sc_bundles>
// kernel: kernel.4.cloned.1.call-start
scs
__scs_entry_jumppad:
0x0: {  	(pc) =	sbr.rel $0x88, $3  }
0x1: {  	(tag) =	ssettag $0x0;
	lr =	simm.s32 $0x1  }
0x2: {  	[smem:$0x3F9F] =	sst lr;
	_ =	strace $0xD0000000  }
0x3: {  	_ = 	snop  }
0x4: {  	_ = 	snop  }
0x5: {  	_ = 	snop  }
0x6: {  	_ = 	snop  }
0x7: {  	_ = 	snop  }
__scs_overlays_trampoline_lowered:
0x8: {  	[smem:$0x3FAE] =	sst s0  }
0x9: {  	[smem:$0x3FAF] =	sst s1  }
0xa: {  	[smem:$0x3FB0] =	sst s2  }
0xb: {  	[smem:$0x3FB1] =	sst s3  }
0xc: {  	[smem:$0x3FB2] =	sst s4  }
0xd: {  	[smem:$0x3FB3] =	sst s5  }
0xe: {  	[smem:$0x3FB4] =	sst s6  }
0xf: {  	[smem:$0x3FB5] =	sst s7  }
0x10: {  	[smem:$0x3FB6] =	sst s8  }
0x11: {  	[smem:$0x3FB7] =	sst s9;
	s0 =	simm.s32 @!p0 $0x0  }
0x12: {  	s1 =	sld [smem:$0x3F9D];
	s0 =	simm.s32 @p0 $0x1  }
0x13: {  	[smem:$0x3FB8] =	sst s0;
	s0 =	simm.s32 @!p1 $0x0  }
0x14: {  	s2 =	sld [smem:$0x3F9C];
	s0 =	simm.s32 @p1 $0x1  }
0x15: {  	[smem:$0x3FB9] =	sst s0;
	s0 =	simm.s32 @!p2 $0x0  }
0x16: {  	s3 =	sld [smem:$0x3FDB];
	s0 =	simm.s32 @p2 $0x1  }
0x17: {  	s4 =	simm.s32 $0x1BF5;
	[smem:$0x3FBB] =	sst s0  }
0x18: {  	s0 =	sld [smem:$0x3F9E];
	_ =	swait.ge [sflag:s4], $0x0  }
0x19: {  	s7 =	sld [smem:$0x3F9F]  }
0x1a: {  	s8 =	sadd.s32 $0xFFFFE003, lr  }
0x1b: {  	s9 =	sadd.s32 $0xFFFFFEF7, lr;
	s5 =	simm.s32 $0xFFFFFFFF;
	p2 =	slt.u32 s8, $0xFFFFF086  }
0x1c: {  	p1 =	slt.u32 s9, $0xF7A;
	s5 =	simm.s32 @!p2 $0x0  }
0x1d: {  	s5 =	simm.s32 @p1 $0x1;
	p0 =	seq.s32 s7, s2  }
0x1e: {  	s7 =	smul.u32 @!p0 $0xF7A, s2;
	p2 =	seq.s32 @!p0 s5, $0x0  }
0x1f: {  	s9 =	smul.u32 $0xF7A, s1;
	s8 =	simm.s32 @!p0 $0x1BF5;
	p2 =	por !p2, p0  }
0x20: {  	[sflag:s8] =	ssyncset.s32 @!p0 $0xFFFFF086;
	s6 =	sadd.s32 @!p0 s3, s7;
	s7 =	simm.s32 @!p0 $0x108  }
0x21: {  	s3 =	sadd.s32 s3, s9;
	s6 =	sadd.s32 @!p0 $0x88, s6;
	s7 =	simm.s32 @p2 $0x1082  }
0x22: {  	[simem:s7], [sflag:s8] =	dma.local @!p0 [hbm:s6], $0xF7A  }
0x23: {  	s9 =	sor.u32 $0xD0000000, s2;
	s6 =	simm.s32 $0x108;
	_ =	swait.ge @!p0 [sflag:s8], $0x0  }
0x24: {  	s3 =	sadd.s32 $0x88, s3;
	s6 =	simm.s32 @!p1 $0x1082;
	[sflag:s4] =	ssyncset.s32 $0xFFFFF086  }
0x25: {  	[simem:s6], [sflag:s4] =	dma.local [hbm:s3], $0xF7A  }
0x26: {  	[smem:$0x3F9F] =	sst s1;
	(tag) =	ssettag s2;
	_ =	strace s9  }
0x27: {  	s1 =	sld [smem:$0x3FAF]  }
0x28: {  	s2 =	sld [smem:$0x3FB0]  }
0x29: {  	s4 =	sld [smem:$0x3FB2]  }
0x2a: {  	p0 =	seq.s32 s5, $0x0;
	s5 =	sld [smem:$0x3FB3]  }
0x2b: {  	s6 =	sld [smem:$0x3FB4]  }
0x2c: {  	s7 =	sld [smem:$0x3FB5]  }
0x2d: {  	s3 =	simm.s32 $0x108;
	s8 =	sld [smem:$0x3FB6]  }
0x2e: {  	s3 =	simm.s32 @!p0 $0x1082;
	s9 =	sld [smem:$0x3FB7]  }
0x2f: {  	lr =	sadd.s32 s0, s3;
	s0 =	sld [smem:$0x3FAE]  }
0x30: {  	s3 =	sld [smem:$0x3FB1]  }
0x31: {  	[smem:$0x3FBA] =	sst s10  }
0x32: {  	s10 =	sld [smem:$0x3FB8];
	_ =	sdelay $0x3  }
0x33: {  	p0 =	seq.s32 s10, $0x1;
	s10 =	sld [smem:$0x3FBA];
	_ =	sdelay $0x3  }
0x34: {  	[smem:$0x3FBA] =	sst s10  }
0x35: {  	s10 =	sld [smem:$0x3FB9];
	_ =	sdelay $0x3  }
0x36: {  	p1 =	seq.s32 s10, $0x1;
	s10 =	sld [smem:$0x3FBA];
	_ =	sdelay $0x3  }
0x37: {  	[smem:$0x3FBA] =	sst s10  }
0x38: {  	s10 =	sld [smem:$0x3FBB]  }
0x39: {  	_ = 	snop;
	(pc) =	sbr.ind lr, $3  }
0x3a: {  	_ = 	snop  }
0x3b: {  	_ = 	snop  }
0x3c: {  	p2 =	seq.s32 s10, $0x1;
	s10 =	sld [smem:$0x3FBA]  }
0x3d: {  	_ =	shalt  }
0x3e: {  	_ =	shalt  }
0x3f: {  	_ =	shalt  }
0x40: {  	_ =	shalt  }
0x41: {  	_ =	shalt  }
0x42: {  	_ =	shalt  }
0x43: {  	_ =	shalt  }
0x44: {  	_ =	shalt  }
0x45: {  	_ =	shalt  }
0x46: {  	_ =	shalt  }
0x47: {  	_ =	shalt  }
0x48: {  	_ =	shalt  }
0x49: {  	_ =	shalt  }
0x4a: {  	_ =	shalt  }
0x4b: {  	_ =	shalt  }
0x4c: {  	_ =	shalt  }
0x4d: {  	_ =	shalt  }
0x4e: {  	_ =	shalt  }
0x4f: {  	_ =	shalt  }
0x50: {  	_ =	shalt  }
0x51: {  	_ =	shalt  }
0x52: {  	_ =	shalt  }
0x53: {  	_ =	shalt  }
0x54: {  	_ =	shalt  }
0x55: {  	_ =	shalt  }
0x56: {  	_ =	shalt  }
0x57: {  	_ =	shalt  }
0x58: {  	_ =	shalt  }
0x59: {  	_ =	shalt  }
0x5a: {  	_ =	shalt  }
0x5b: {  	_ =	shalt  }
0x5c: {  	_ =	shalt  }
0x5d: {  	_ =	shalt  }
0x5e: {  	_ =	shalt  }
0x5f: {  	_ =	shalt  }
0x60: {  	_ =	shalt  }
0x61: {  	_ =	shalt  }
0x62: {  	_ =	shalt  }
0x63: {  	_ =	shalt  }
0x64: {  	_ =	shalt  }
0x65: {  	_ =	shalt  }
0x66: {  	_ =	shalt  }
0x67: {  	_ =	shalt  }
0x68: {  	_ =	shalt  }
0x69: {  	_ =	shalt  }
0x6a: {  	_ =	shalt  }
0x6b: {  	_ =	shalt  }
0x6c: {  	_ =	shalt  }
0x6d: {  	_ =	shalt  }
0x6e: {  	_ =	shalt  }
0x6f: {  	_ =	shalt  }
0x70: {  	_ =	shalt  }
0x71: {  	_ =	shalt  }
0x72: {  	_ =	shalt  }
0x73: {  	_ =	shalt  }
0x74: {  	_ =	shalt  }
0x75: {  	_ =	shalt  }
0x76: {  	_ =	shalt  }
0x77: {  	_ =	shalt  }
0x78: {  	_ =	shalt  }
0x79: {  	_ =	shalt  }
0x7a: {  	_ =	shalt  }
0x7b: {  	_ =	shalt  }
0x7c: {  	_ =	shalt  }
0x7d: {  	_ =	shalt  }
0x7e: {  	_ =	shalt  }
0x7f: {  	_ =	shalt  }
0x80: {  	_ =	shalt  }
0x81: {  	_ =	shalt  }
0x82: {  	_ =	shalt  }
0x83: {  	_ =	shalt  }
0x84: {  	_ =	shalt  }
0x85: {  	_ =	shalt  }
0x86: {  	_ =	shalt  }
0x87: {  	_ =	shalt  }
.Lfunc_end0:
.L_simem_size_0:
called_computation_lowered:
.L_overlay_start_0:
0x88: {  	s2 =	sld [smem:$0x3FD9]  }
0x89: {  	s3 =	sld [smem:$0x3FFE];
	_ =	sdelay $0x1  }
0x8a: {  	s1 =	srdreg.scid  }
0x8b: {  	s0 =	sand.u32 $0x1, s1  }
0x8c: {  	s17 =	sshll.u32 s0, $0xA;
	s2 =	sadd.s32 s3, s2  }
0x8d: {  	s2 =	sadd.s32 s2, s17  }
0x8e: {  	[smem:$0x3FC6] =	sst s2  }
0x8f: {  	_ = 	snop  }
0x90: {  	s2 =	sld [smem:$0x3FC8];
	(tm) =	ssettm $0x1  }
0x91: {  	s18 =	sld [smem:$0x3FFB];
	_ =	sdelay $0x3  }
0x92: {  	_ =	strace s18  }
0x93: {  	s3 =	sld [smem:$0x3FFC];
	_ =	sdelay $0x3  }
0x94: {  	_ =	strace s3  }
0x95: {  	s3 =	sld [smem:$0x3FFD];
	_ =	sdelay $0x3  }
0x96: {  	_ =	strace s3  }
0x97: {  	_ =	strace $0x8FFFFFFF  }
0x98: {  	s19 =	sld [smem:$0x3FDB];
	_ =	sdelay $0x1  }
0x99: {  	s4 =	simm.s32 $_scs_section_size  }
0x9a: {  	s5 =	simm.s32 $_size__tile_overlayer_lowered;
	s6 =	simm.s32 $_tile_overlayer_lowered  }
0x9b: {  	s22 =	simm.s32 $0x1BFF;
	s21 =	sshll.u32 s6, $0x1;
	s3 =	sadd.s32 s4, s19  }
0x9c: {  	s7 =	simm.s32 $0x0;
	s20 =	sshll.u32 s5, $0x1;
	s5 =	sadd.s32 s21, s3  }
0x9d: {  	[timem:s7], [sflag:s22] =	dma.local [hbm:s5], s20  }
0x9e: {  	_ =	swait.ge [sflag:s22], s20  }
0x9f: {  	s4 =	ssub.s32 $0x0, s20;
	[sflag:s22] =	ssyncset.done $0x0  }
0xa0: {  	[sflag:s22] =	ssyncadd.s32 s4;
	_ =	sdelay $0x1  }
0xa1: {  	s23 =	simm.s32 $0x1B8B  }
0xa2: {  	_ =	swait.ge [sflag:s23], $0x1  }
0xa3: {  	[sflag:s23] =	ssyncset.done $0x0  }
0xa4: {  	s25 =	simm.s32 $0x1B8E;
	s24 =	sld [smem:$0x3FFE];
	[sflag:s23] =	ssyncadd.s32 $0xFFFFFFFF  }
0xa5: {  	s26 =	simm.s32 $execute0_lowered;
	[smem:$0x3FD2] =	sst s25  }
0xa6: {  	s5 =	sshll.u32 s26, $0x1;
	_ =	strace $0x80000046;
	[dreg:$0x1] =	wrdreg $0xFFFFFFFF  }
0xa7: {  	s28 =	simm.s32 $_size_execute0_lowered;
	s3 =	sadd.s32 s3, s5;
	[dreg:$0x0] =	wrdreg $0x0  }
0xa8: {  	s5 =	sshll.u32 s28, $0x1;
	[dreg:$0x2] =	wrdreg s3  }
0xa9: {  	[dreg:$0x3] =	wrdreg s5  }
0xaa: {  	[dreg:$0x4] =	wrdreg $0xC0  }
0xab: {  	_ =	task [dreg:s7], $0x5FFFF  }
0xac: {  	[dreg:$0x1] =	wrdreg $0xFFFFFFFF  }
0xad: {  	[dreg:$0x0] =	wrdreg $0x60  }
0xae: {  	[dreg:$0x2] =	wrdreg s2  }
0xaf: {  	[dreg:$0x3] =	wrdreg s24  }
0xb0: {  	[dreg:$0x4] =	wrdreg $0x9  }
0xb1: {  	_ =	task.clear_ibuf [dreg:s7], $0x5FFFF;
	_ =	strace $0x90000046  }
0xb2: {  	s29 =	simm.s32 $0x9;
	_ =	strace $0x80000048  }
0xb3: {  	_ =	swait.ge [sflag:s29], $0x1  }
0xb4: {  	[sflag:s29] =	ssyncadd.s32 $0xFFFFFFFF  }
0xb5: {  	_ =	strace $0x90000048  }
0xb6: {  	_ =	sfence  }
0xb7: {  	s30 =	sld [smem:$0x0];
	_ =	sdelay $0x2  }
0xb8: {  	s31 =	sshll.u32 s1, $0xD;
	s1 =	sshrl.u32 s1, $0x2  }
0xb9: {  	s3 =	sand.u32 $0x4000, s31;
	s1 =	sadd.s32 s1, s30  }
0xba: {  	s0 =	sor.u32 s3, s0;
	s1 =	sshll.u32 s1, $0x11  }
0xbb: {  	s0 =	sor.u32 s1, s0  }
0xbc: {  	s0 =	sadd.s32 $0x8F2B, s0  }
0xbd: {  	[sflag:s0] =	ssyncadd.remote.s32 $0x1  }
0xbe: {  	_ =	sfence.sel $0xFFFF  }
0xbf: {  	[dreg:$0x0] =	wrdreg $0xFFFFFFFF;
	(pc) =	sbr.abs _section_cstart, $3  }
0xc0: {  	[dreg:$0x1] =	wrdreg $0xFFFFFFFF  }
0xc1: {  	_ =	task.clear_ibuf [dreg:s7], $0x2FFFF;
	_ =	strace $0x9FFFFFFF  }
0xc2: {  	(tm) =	ssettm $0x7FFFFFFF  }
0xc3: {  	_ =	shalt  }
tec
execute0_lowered:
.L_overlay_start_1:
0x0: {  	(tag) =	ssettag $0x1  }
0x1: {  	s0 =	srdreg.scid  }
0x2: {  	s4 =	sand.u32 $0x1, s0;
	s0 =	stileid.u32  }
0x3: {  	s5 =	sshll.u32 s0, $0x1;
	s6 =	ssub.s32 $0x0, s4  }
0x4: {  	p0 =	sne.s32 s5, s6  }
.Ltmp0:
0x5: {  	_ = 	snop;
	(pc) =	sbr.rel @p0 .LBB2_5-.Ltmp0, $4  }
0x6: {  	_ = 	snop  }
0x7: {  	s2 =	rddreg [dreg:$0x0]  }
0x8: {  	s3 =	rddreg [dreg:$0x1]  }
0x9: {  	s1 =	rddreg [dreg:$0x2];
	_ =	strace $0x80000047  }
0xa: {  	s4 =	ssub.s32 $0x2, s4  }
0xb: {  	s3 =	sadd.s32 $0x400, s3;
	s5 =	sshrl.u32 s4, $0x1  }
0xc: {  	s6 =	simm.s32 $0x1;
	s7 =	simm.s32 $0x2000;
	s4 =	ssub.s32 s4, s5  }
0xd: {  	v0 =	vimm.s32 $0x0;
	v1 =	vlaneseq.u32;
	s8 =	simm.s32 $0x0;
	s5 =	simm.s32 $0x0;
	s4 =	smax.u32 s4, $0x1  }
.LBB2_2:
0xe: {  	[tilespmem:s5], [sflag:$0x1] =	stream.linear.gather [hbm4b:s2+s5], $0x1FA4, $0x38;
	[tilespmem:$0x2A00] =	vst v63  }
0xf: {  	_ =	swait.ge [sflag:s6], $0x1FA4  }
0x10: {  	[sflag:s6] =	ssyncset.done $0x0  }
0x11: {  	[sflag:s6] =	ssyncadd.s32 $0xFFFFE05C  }
0x12: {  	[tilespmem:$0x29F0] =	vst v0  }
0x13: {  	s9 =	simm.s32 $0x10;
	s10 =	simm.s32 $0x0;
	s11 =	simm.s32 $0x0;
	v2 =	vld [tilespmem:s5+$0x0]  }
.LBB2_3:
0x14: {  	p0 =	sne.s32 s9, $0x1FA0;
	_ =	sdelay $0x2  }
0x15: {  	v3 =	vor.u32 s10, v1;
	s10 =	smov.u32 s9  }
0x16: {  	vm1 =	vlt.u32 v3, $0x1FA4;
	vm0 =	vgt.s32 v2, $0xFFFFFFFF  }
0x17: {  	vm0 =	vmand vm1, vm0  }
0x18: {  	v2 =	vnsel vm0, $0x0, v2;
	_ =	sdelay $0x1  }
.Ltmp1:
0x19: {  	(pc) =	sbr.rel @p0 .LBB2_3-.Ltmp1, $3  }
0x1a: {  	_ =	sdelay $0x1  }
0x1b: {  	s11 =	sadd.s32 $0x10, s11;
	[tilespmem:v2+s7+$0x0] =	vst.idx.msk vm0, v3  }
0x1c: {  	s9 =	sadd.s32 $0x10, s9;
	v2 =	vld [tilespmem:s11+$0x0]  }
0x1d: {  	_ =	sdelay $0x2  }
0x1e: {  	v3 =	vor.u32 s10, v1  }
0x1f: {  	vm1 =	vlt.u32 v3, $0x1FA4;
	vm0 =	vgt.s32 v2, $0xFFFFFFFF  }
0x20: {  	vm0 =	vmand vm1, vm0  }
0x21: {  	v2 =	vnsel vm0, $0x0, v2;
	_ =	sdelay $0x2  }
0x22: {  	s8 =	sadd.s32 $0x1, s8  }
0x23: {  	p0 =	sne.s32 s8, s4  }
.Ltmp2:
0x24: {  	[tilespmem:v2+s7+$0x0] =	vst.idx.msk vm0, v3;
	(pc) =	sbr.rel @p0 .LBB2_2-.Ltmp2, $4  }
0x25: {  	[hbm4b:s3+s5] =	stream.linear.scatter [tilespmem:s7], [sflag:$0x1], $0xA00, $0x38;
	[tilespmem:$0x2A00] =	vst v63  }
0x26: {  	_ =	swait.ge [sflag:s6], $0xA00  }
0x27: {  	[sflag:s6] =	ssyncset.done $0x0  }
0x28: {  	[sflag:s6] =	ssyncadd.s32 $0xFFFFF600  }
.LBB2_5:
0x29: {  	_ =	sfence.sel $0x180000  }
0x2a: {  	[bflag:$0x0] =	sbarrier.arrive $0xFFFF  }
0x2b: {  	p0 =	sne.s32 s0, $0x0;
	_ =	strace $0x90000047  }
0x2c: {  	s0 =	sadd.s32 @!p0 $0x100000, s1;
	[bflag:$0x2] =	sbarrier.arrive $0xFFFF  }
0x2d: {  	[sflag:s0] =	ssyncadd.tile.s32 @!p0 $0x1;
	_ =	shalt  }
.Lfunc_end2:
_tile_overlayer_lowered:
.L_overlay_start_2:
0x2e: {  	(tag) =	ssettag $0x2  }
0x2f: {  	s0 =	rddreg [dreg:$0x0];
	s2 =	stileid.u32  }
0x30: {  	s1 =	rddreg [dreg:$0x1];
	p0 =	sne.s32 s2, $0x0  }
0x31: {  	s3 =	rddreg [dreg:$0x2];
	[bflag:$0x3] =	sbarrier.arrive $0xFFFF;
	s2 =	simm.s32 @!p0 $0x1C01  }
0x32: {  	[timem:s3], [sflag:s2] =	dma.local @!p0 [hbm:s0], s1  }
0x33: {  	s0 =	simm.s32 @!p0 $0x1  }
0x34: {  	_ =	swait.ge @!p0 [sflag:s0], s1  }
0x35: {  	s1 =	ssub.s32 @!p0 $0x0, s1;
	[sflag:s0] =	ssyncset.done @!p0 $0x0  }
0x36: {  	[sflag:s0] =	ssyncadd.s32 @!p0 s1  }
0x37: {  	[bflag:$0x3] =	sbarrier.arrive $0xFFFF  }
0x38: {  	_ =	shalt  }

</sc_bundles>
